<compile_context>
chip_gen: v7x
topology: tpu7x:2x2x1
jax: 0.10.2.dev20260603
libtpu: 0.0.44.dev20260713+nightly
codegen_flags: <defaults>
</compile_context>

<pallas_src>
import dataclasses
import functools

import jax
import jax.numpy as jnp
from jax import lax
from jax.experimental import pallas as pl
from jax.experimental.pallas import tpu as pltpu
from jax.experimental.pallas import tpu_sc as plsc

N = 10000
D = 128
E = 320000

NC = 2
NS = 16
NW = NC * NS
CHUNK = 128
NPAD = 10112
ROWS_PT = NPAD // NS
CPT = 80
E_PAD = NW * CPT * CHUNK
DEGC = 128

_MESH = plsc.VectorSubcoreMesh(core_axis_name="c", subcore_axis_name="s")

_CP = pltpu.CompilerParams()
if "needs_layout_passes" in pltpu.CompilerParams.__dataclass_fields__:
    _CP = dataclasses.replace(_CP, needs_layout_passes=False)



@functools.partial(
    pl.kernel,
    out_type=jax.ShapeDtypeStruct((NW, NPAD), jnp.float32),
    mesh=_MESH,
    compiler_params=_CP,
    scratch_types=[
        pltpu.VMEM((CPT, CHUNK), jnp.int32),
        pltpu.VMEM((NPAD,), jnp.float32),
    ],
)
def _sc_degree(src_hbm, out_hbm, sidx, hist):
    cid = lax.axis_index("c")
    sid = lax.axis_index("s")
    wid = sid * NC + cid
    pltpu.sync_copy(src_hbm.at[pl.ds(wid * CPT, CPT)], sidx)

    @pl.loop(0, NPAD // 16)
    def _(i):
        hist[pl.ds(i * 16, 16)] = jnp.zeros((16,), jnp.float32)

    ones = jnp.ones((16,), jnp.float32)

    @pl.loop(0, CPT)
    def _(k):
        for j in range(CHUNK // 16):
            g = sidx[k, pl.ds(j * 16, 16)]
            plsc.addupdate_scatter(hist, [g], ones)

    pltpu.sync_copy(hist, out_hbm.at[wid])


@functools.partial(
    pl.kernel,
    out_type=jax.ShapeDtypeStruct((NC, NPAD, D), jnp.float32),
    mesh=_MESH,
    scratch_types=[
        pltpu.VMEM((CPT // 2, CHUNK), jnp.int32),
        pltpu.VMEM((CPT // 2, CHUNK), jnp.int32),
        pltpu.VMEM((CHUNK, D), jnp.float32),
        pltpu.VMEM((CHUNK, D), jnp.float32),
        pltpu.VMEM_SHARED((NPAD, D), jnp.float32),
        pltpu.SemaphoreType.DMA,
        pltpu.SemaphoreType.DMA,
    ],
)
def _sc_messages(h_hbm, src_hbm, dst_hbm, zeros_hbm, out_hbm,
                 sidx, didx, rows0, rows1, acc, sem0, sem1):
    cid = lax.axis_index("c")
    sid = lax.axis_index("s")
    r0 = sid * ROWS_PT
    rows = (rows0, rows1)
    sems = (sem0, sem1)
    pltpu.sync_copy(zeros_hbm.at[pl.ds(r0, ROWS_PT)], acc.at[pl.ds(r0, ROWS_PT)])
    plsc.subcore_barrier()

    def _run(nch, base_row):
        hcpt = nch // 2
        for hlf in range(2):
            row0 = base_row + hlf * hcpt
            pltpu.sync_copy(src_hbm.at[pl.ds(row0, hcpt)],
                            sidx.at[pl.ds(0, hcpt)])
            pltpu.sync_copy(dst_hbm.at[pl.ds(row0, hcpt)],
                            didx.at[pl.ds(0, hcpt)])

            pltpu.async_copy(h_hbm.at[sidx.at[0]], rows0, sem0)
            pltpu.async_copy(h_hbm.at[sidx.at[1]], rows1, sem1)

            @pl.loop(0, hcpt, step=2)
            def _(k):
                for b in range(2):
                    kb = k + b
                    pltpu.make_async_copy(h_hbm.at[sidx.at[kb]], rows[b],
                                          sems[b]).wait()
                    pltpu.sync_copy(rows[b], acc.at[didx.at[kb]], add=True)
                    nxt = kb + 2

                    @pl.when(nxt < hcpt)
                    def _():
                        pltpu.async_copy(h_hbm.at[sidx.at[nxt]], rows[b],
                                         sems[b])

    wid = sid * NC + cid
    _run(CPT, wid * CPT)

    plsc.subcore_barrier()
    pltpu.sync_copy(acc.at[pl.ds(r0, ROWS_PT)],
                    out_hbm.at[cid].at[pl.ds(r0, ROWS_PT)])



def _dinv_cols(degp):
    deg = jnp.sum(degp, axis=0)[:N, None] + 1.0
    return lax.rsqrt(deg)


def _leaky(v):
    return jnp.where(v >= 0, v, 0.1 * v)


def _scaled_matmul_pad(xs, w, out_ref):
    h = lax.dot_general(xs, w, (((1,), (1,)), ((), ())),
                        preferred_element_type=jnp.float32)
    out_ref[:N, :] = h
    out_ref[N:, :] = jnp.zeros((NPAD - N, D), jnp.float32)


def _tc_mm_body(x_ref, w_ref, g_ref):
    _scaled_matmul_pad(x_ref[...], w_ref[...], g_ref)


def _tc_scale_body(g_ref, degp_ref, h_ref):
    dinv = _dinv_cols(degp_ref[...])
    h_ref[:N, :] = g_ref[:N, :] * dinv
    h_ref[N:, :] = jnp.zeros((NPAD - N, D), jnp.float32)


def _block_tail(sp, hpad, x_in, degp, b, g, be):
    dinv = _dinv_cols(degp)
    s = sp[0, :N, :] + sp[1, :N, :]
    out = dinv * (s + hpad[:N, :]) + b[None, :]
    mean = jnp.mean(out, axis=0)
    var = jnp.mean((out - mean[None, :]) ** 2, axis=0)
    z = (out - mean[None, :]) * lax.rsqrt(var[None, :] + 1e-5) * g[None, :] + be[None, :]
    return _leaky(_leaky(z) + x_in), dinv


def _tc2_body(s1_ref, h1_ref, x_ref, degp_ref, b1_ref, g1_ref, be1_ref,
              w2_ref, x2_ref, h2_ref):
    x2, dinv = _block_tail(s1_ref[...], h1_ref[...], x_ref[...], degp_ref[...],
                           b1_ref[...], g1_ref[...], be1_ref[...])
    x2_ref[...] = x2
    _scaled_matmul_pad(x2 * dinv, w2_ref[...], h2_ref)


def _tc3_body(s2_ref, h2_ref, x2_ref, degp_ref, b2_ref, g2_ref, be2_ref,
              out_ref):
    h, _ = _block_tail(s2_ref[...], h2_ref[...], x2_ref[...], degp_ref[...],
                       b2_ref[...], g2_ref[...], be2_ref[...])
    nrm = jnp.maximum(jnp.sqrt(jnp.sum(h * h, axis=1, keepdims=True)), 1e-12)
    out_ref[...] = h / nrm


_tc_mm = pl.pallas_call(
    _tc_mm_body,
    out_shape=jax.ShapeDtypeStruct((NPAD, D), jnp.float32),
)

_tc_scale = pl.pallas_call(
    _tc_scale_body,
    out_shape=jax.ShapeDtypeStruct((NPAD, D), jnp.float32),
)

_tc2 = pl.pallas_call(
    _tc2_body,
    out_shape=(jax.ShapeDtypeStruct((N, D), jnp.float32),
               jax.ShapeDtypeStruct((NPAD, D), jnp.float32)),
)

_tc3 = pl.pallas_call(
    _tc3_body,
    out_shape=jax.ShapeDtypeStruct((N, D), jnp.float32),
)



def kernel(x, edge_index, W1, b1, g1, be1, W2, b2, g2, be2):
    pad = jnp.full((1, E_PAD - E), N, jnp.int32)
    ep = jnp.concatenate([edge_index, jnp.concatenate([pad, pad])], axis=1)
    srcp = ep[0].reshape(NW * CPT, CHUNK)
    dstp = ep[1].reshape(NW * CPT, CHUNK)
    zeros_d = jnp.zeros((NPAD, D), jnp.float32)

    degp = _sc_degree(srcp)
    mm1 = _tc_mm(x, W1)
    h1 = _tc_scale(mm1, degp)
    s1 = _sc_messages(h1, srcp, dstp, zeros_d)
    x2, h2 = _tc2(s1, h1, x, degp, b1, g1, be1, W2)
    s2 = _sc_messages(h2, srcp, dstp, zeros_d)
    return _tc3(s2, h2, x2, degp, b2, g2, be2)

# --- scband reference (transcript-rebuilt; emitter-appended) ---
"""Pipeline reference for scband-graph-autoencoder-47528108098088 (READ-ONLY COPY).

The authoritative reference and input builder live on the scoring server;
editing this copy changes nothing except your own understanding.
"""

import jax, jax.numpy as jnp
import numpy as np

N = 10000
E = 320000
D = 128

def setup_inputs(seed: int = 0) -> dict:
    key = jax.random.key(seed)
    ks = jax.random.split(key, 12)
    x = jax.random.normal(ks[0], (N, D), dtype=jnp.float32)
    edge_index = jax.random.randint(ks[1], (2, E), 0, N, dtype=jnp.int32)
    # learned params for two ResidualBlocks (GCNConv weight/bias + BatchNorm gamma/beta)
    W1 = jax.random.normal(ks[2], (D, D), dtype=jnp.float32) * 0.05
    b1 = jnp.zeros((D,), dtype=jnp.float32)
    g1 = jnp.ones((D,), dtype=jnp.float32)
    be1 = jnp.zeros((D,), dtype=jnp.float32)
    W2 = jax.random.normal(ks[3], (D, D), dtype=jnp.float32) * 0.05
    b2 = jnp.zeros((D,), dtype=jnp.float32)
    g2 = jnp.ones((D,), dtype=jnp.float32)
    be2 = jnp.zeros((D,), dtype=jnp.float32)
    return {"x": x, "edge_index": edge_index, "W1": W1, "b1": b1, "g1": g1, "be1": be1,
            "W2": W2, "b2": b2, "g2": g2, "be2": be2}

def _gcn_residual_block(x, edge_index, W, b, gamma, beta):
    n = x.shape[0]
    residual = x  # in_channels == out_channels -> shortcut is Identity
    src = edge_index[0]
    dst = edge_index[1]
    # add self loops
    loop = jnp.arange(n, dtype=src.dtype)
    src = jnp.concatenate([src, loop])
    dst = jnp.concatenate([dst, loop])
    # symmetric normalization: deg computed on edge_index[0]
    deg = jnp.zeros((n,), dtype=x.dtype).at[src].add(1.0)
    deg_inv_sqrt = jnp.where(deg > 0, deg ** -0.5, 0.0)
    norm = deg_inv_sqrt[src] * deg_inv_sqrt[dst]
    # GCNConv: linear transform, gather messages from src, scatter-add to dst
    h = x @ W.T
    msg = norm[:, None] * jnp.take(h, src, axis=0)
    out = jax.ops.segment_sum(msg, dst, num_segments=n) + b
    # BatchNorm1d (training-mode batch statistics)
    mean = out.mean(axis=0)
    var = out.var(axis=0)
    out = (out - mean) / jnp.sqrt(var + 1e-5) * gamma + beta
    # LeakyReLU(0.1); dropout is identity in eval
    out = jax.nn.leaky_relu(out, 0.1)
    return jax.nn.leaky_relu(out + residual, 0.1)

def reference(x, edge_index, W1, b1, g1, be1, W2, b2, g2, be2):
    h = _gcn_residual_block(x, edge_index, W1, b1, g1, be1)
    h = _gcn_residual_block(h, edge_index, W2, b2, g2, be2)
    # F.normalize(h, p=2, dim=1)
    nrm = jnp.maximum(jnp.linalg.norm(h, axis=1, keepdims=True), 1e-12)
    return h / nrm

if __name__ == "__main__":
    import jax
    _d = setup_inputs()
    print(jax.jit(kernel)(*tuple(_d.values())))

</pallas_src>

<mosaic_0001>
#map = affine_map<(d0, d1) -> (0, 0)>
#map1 = affine_map<(d0, d1) -> (0, 0, 0)>
module attributes {stable_mosaic.version = 14 : i64} {
  func.func @_sc_messages(%arg0: i32, %arg1: i32, %arg2: memref<10112x128xf32, #tpu.memory_space<hbm>>, %arg3: memref<2560x128xi32, #tpu.memory_space<hbm>>, %arg4: memref<2560x128xi32, #tpu.memory_space<hbm>>, %arg5: memref<10112x128xf32, #tpu.memory_space<hbm>>, %arg6: memref<2x10112x128xf32, #tpu.memory_space<hbm>>, %arg7: memref<40x128xi32, #tpu.memory_space<vmem>>, %arg8: memref<40x128xi32, #tpu.memory_space<vmem>>, %arg9: memref<128x128xf32, #tpu.memory_space<vmem>>, %arg10: memref<128x128xf32, #tpu.memory_space<vmem>>, %arg11: memref<10112x128xf32, #tpu.memory_space<vmem_shared>>, %arg12: memref<!tpu.dma_semaphore, #tpu.memory_space<semaphore_mem>>, %arg13: memref<!tpu.dma_semaphore, #tpu.memory_space<semaphore_mem>>) attributes {dimension_semantics = [#tpu.dimension_semantics<core_parallel>, #tpu.dimension_semantics<subcore_parallel>], iteration_bounds = array<i64: 2, 16>, scalar_prefetch = 0 : i64, scratch_operands = 7 : i64, tpu.core_type = #tpu.core_type<sc_vector_subcore>, window_params = [{transform_indices = #map}, {transform_indices = #map}, {transform_indices = #map}, {transform_indices = #map}, {transform_indices = #map1}]} {
    %mul3A = arith.constant 632 : i32
    %mul3A_0 = arith.muli %arg1, %mul3A : i32
    "tpu.region"() ({
      %run_scoped3A = tpu.sem_alloc : memref<!tpu.dma_semaphore, #tpu.memory_space<semaphore_mem>>
      %dma_start3A_46 = arith.constant 0 : i32
      %dma_start3A_47 = tpu.memref_slice %arg11[%mul3A_0, %dma_start3A_46] : memref<10112x128xf32, #tpu.memory_space<vmem_shared>> -> memref<632x128xf32, #tpu.memory_space<vmem_shared>>
      %dma_start3A_48 = arith.constant 0 : i32
      %dma_start3A_49 = tpu.memref_slice %arg5[%mul3A_0, %dma_start3A_48] : memref<10112x128xf32, #tpu.memory_space<hbm>> -> memref<632x128xf32, #tpu.memory_space<hbm>>
      tpu.enqueue_dma source(%dma_start3A_49 : memref<632x128xf32, #tpu.memory_space<hbm>>) target(%dma_start3A_47 : memref<632x128xf32, #tpu.memory_space<vmem_shared>>) target_semaphore(%run_scoped3A : memref<!tpu.dma_semaphore, #tpu.memory_space<semaphore_mem>>)
      %dma_wait3A = arith.constant 0 : i32
      %dma_wait3A_50 = tpu.memref_slice %arg11[%mul3A_0, %dma_wait3A] : memref<10112x128xf32, #tpu.memory_space<vmem_shared>> -> memref<632x128xf32, #tpu.memory_space<vmem_shared>>
      %dma_wait3A_51 = arith.constant 0 : i32
      %dma_wait3A_52 = tpu.memref_slice %arg5[%mul3A_0, %dma_wait3A_51] : memref<10112x128xf32, #tpu.memory_space<hbm>> -> memref<632x128xf32, #tpu.memory_space<hbm>>
      tpu.wait_dma2 semaphore(%run_scoped3A : memref<!tpu.dma_semaphore, #tpu.memory_space<semaphore_mem>>) src(%dma_wait3A_52 : memref<632x128xf32, #tpu.memory_space<hbm>>) dst(%dma_wait3A_50 : memref<632x128xf32, #tpu.memory_space<vmem_shared>>)
      tpu.yield
    }) : () -> ()
    %barrier3A = arith.constant 0 : index
    tpu.barrier barrier_id(%barrier3A)
    %mul3A_1 = arith.constant 2 : i32
    %mul3A_2 = arith.muli %arg1, %mul3A_1 : i32
    %add3A = arith.addi %mul3A_2, %arg0 : i32
    %mul3A_3 = arith.constant 80 : i32
    %mul3A_4 = arith.muli %add3A, %mul3A_3 : i32
    %add3A_5 = arith.constant 0 : i32
    %add3A_6 = arith.addi %mul3A_4, %add3A_5 : i32
    "tpu.region"() ({
      %run_scoped3A = tpu.sem_alloc : memref<!tpu.dma_semaphore, #tpu.memory_space<semaphore_mem>>
      %dma_start3A_46 = arith.constant 0 : i32
      %dma_start3A_47 = arith.constant 0 : i32
      %dma_start3A_48 = tpu.memref_slice %arg7[%dma_start3A_46, %dma_start3A_47] : memref<40x128xi32, #tpu.memory_space<vmem>> -> memref<40x128xi32, #tpu.memory_space<vmem>>
      %dma_start3A_49 = arith.constant 0 : i32
      %dma_start3A_50 = tpu.memref_slice %arg3[%add3A_6, %dma_start3A_49] : memref<2560x128xi32, #tpu.memory_space<hbm>> -> memref<40x128xi32, #tpu.memory_space<hbm>>
      %dma_start3A_51 = arith.constant 0 : i32
      %dma_start3A_52 = arith.constant 0 : i32
      %dma_start3A_53 = tpu.memref_slice %arg7[%dma_start3A_51, %dma_start3A_52] : memref<40x128xi32, #tpu.memory_space<vmem>> -> memref<40x128xi32, #tpu.memory_space<vmem>>
      %dma_start3A_54 = arith.constant 0 : i32
      %dma_start3A_55 = tpu.memref_slice %arg3[%add3A_6, %dma_start3A_54] : memref<2560x128xi32, #tpu.memory_space<hbm>> -> memref<40x128xi32, #tpu.memory_space<hbm>>
      tpu.enqueue_dma source(%dma_start3A_55 : memref<40x128xi32, #tpu.memory_space<hbm>>) target(%dma_start3A_53 : memref<40x128xi32, #tpu.memory_space<vmem>>) target_semaphore(%run_scoped3A : memref<!tpu.dma_semaphore, #tpu.memory_space<semaphore_mem>>)
      %dma_wait3A = arith.constant 0 : i32
      %dma_wait3A_56 = arith.constant 0 : i32
      %dma_wait3A_57 = tpu.memref_slice %arg7[%dma_wait3A, %dma_wait3A_56] : memref<40x128xi32, #tpu.memory_space<vmem>> -> memref<40x128xi32, #tpu.memory_space<vmem>>
      %dma_wait3A_58 = arith.constant 0 : i32
      %dma_wait3A_59 = tpu.memref_slice %arg3[%add3A_6, %dma_wait3A_58] : memref<2560x128xi32, #tpu.memory_space<hbm>> -> memref<40x128xi32, #tpu.memory_space<hbm>>
      %dma_wait3A_60 = arith.constant 0 : i32
      %dma_wait3A_61 = arith.constant 0 : i32
      %dma_wait3A_62 = tpu.memref_slice %arg7[%dma_wait3A_60, %dma_wait3A_61] : memref<40x128xi32, #tpu.memory_space<vmem>> -> memref<40x128xi32, #tpu.memory_space<vmem>>
      %dma_wait3A_63 = arith.constant 0 : i32
      %dma_wait3A_64 = tpu.memref_slice %arg3[%add3A_6, %dma_wait3A_63] : memref<2560x128xi32, #tpu.memory_space<hbm>> -> memref<40x128xi32, #tpu.memory_space<hbm>>
      tpu.wait_dma2 semaphore(%run_scoped3A : memref<!tpu.dma_semaphore, #tpu.memory_space<semaphore_mem>>) src(%dma_wait3A_64 : memref<40x128xi32, #tpu.memory_space<hbm>>) dst(%dma_wait3A_62 : memref<40x128xi32, #tpu.memory_space<vmem>>)
      tpu.yield
    }) : () -> ()
    "tpu.region"() ({
      %run_scoped3A = tpu.sem_alloc : memref<!tpu.dma_semaphore, #tpu.memory_space<semaphore_mem>>
      %dma_start3A_46 = arith.constant 0 : i32
      %dma_start3A_47 = arith.constant 0 : i32
      %dma_start3A_48 = tpu.memref_slice %arg8[%dma_start3A_46, %dma_start3A_47] : memref<40x128xi32, #tpu.memory_space<vmem>> -> memref<40x128xi32, #tpu.memory_space<vmem>>
      %dma_start3A_49 = arith.constant 0 : i32
      %dma_start3A_50 = tpu.memref_slice %arg4[%add3A_6, %dma_start3A_49] : memref<2560x128xi32, #tpu.memory_space<hbm>> -> memref<40x128xi32, #tpu.memory_space<hbm>>
      %dma_start3A_51 = arith.constant 0 : i32
      %dma_start3A_52 = arith.constant 0 : i32
      %dma_start3A_53 = tpu.memref_slice %arg8[%dma_start3A_51, %dma_start3A_52] : memref<40x128xi32, #tpu.memory_space<vmem>> -> memref<40x128xi32, #tpu.memory_space<vmem>>
      %dma_start3A_54 = arith.constant 0 : i32
      %dma_start3A_55 = tpu.memref_slice %arg4[%add3A_6, %dma_start3A_54] : memref<2560x128xi32, #tpu.memory_space<hbm>> -> memref<40x128xi32, #tpu.memory_space<hbm>>
      tpu.enqueue_dma source(%dma_start3A_55 : memref<40x128xi32, #tpu.memory_space<hbm>>) target(%dma_start3A_53 : memref<40x128xi32, #tpu.memory_space<vmem>>) target_semaphore(%run_scoped3A : memref<!tpu.dma_semaphore, #tpu.memory_space<semaphore_mem>>)
      %dma_wait3A = arith.constant 0 : i32
      %dma_wait3A_56 = arith.constant 0 : i32
      %dma_wait3A_57 = tpu.memref_slice %arg8[%dma_wait3A, %dma_wait3A_56] : memref<40x128xi32, #tpu.memory_space<vmem>> -> memref<40x128xi32, #tpu.memory_space<vmem>>
      %dma_wait3A_58 = arith.constant 0 : i32
      %dma_wait3A_59 = tpu.memref_slice %arg4[%add3A_6, %dma_wait3A_58] : memref<2560x128xi32, #tpu.memory_space<hbm>> -> memref<40x128xi32, #tpu.memory_space<hbm>>
      %dma_wait3A_60 = arith.constant 0 : i32
      %dma_wait3A_61 = arith.constant 0 : i32
      %dma_wait3A_62 = tpu.memref_slice %arg8[%dma_wait3A_60, %dma_wait3A_61] : memref<40x128xi32, #tpu.memory_space<vmem>> -> memref<40x128xi32, #tpu.memory_space<vmem>>
      %dma_wait3A_63 = arith.constant 0 : i32
      %dma_wait3A_64 = tpu.memref_slice %arg4[%add3A_6, %dma_wait3A_63] : memref<2560x128xi32, #tpu.memory_space<hbm>> -> memref<40x128xi32, #tpu.memory_space<hbm>>
      tpu.wait_dma2 semaphore(%run_scoped3A : memref<!tpu.dma_semaphore, #tpu.memory_space<semaphore_mem>>) src(%dma_wait3A_64 : memref<40x128xi32, #tpu.memory_space<hbm>>) dst(%dma_wait3A_62 : memref<40x128xi32, #tpu.memory_space<vmem>>)
      tpu.yield
    }) : () -> ()
    %dma_start3A = arith.constant 0 : i32
    %dma_start3A_7 = arith.constant 0 : i32
    %dma_start3A_8 = tpu.memref_slice %arg7[%dma_start3A, %dma_start3A_7] : memref<40x128xi32, #tpu.memory_space<vmem>> -> memref<1x128xi32, #tpu.memory_space<vmem>>
    %dma_start3A_9 = tpu.memref_squeeze %dma_start3A_8 : memref<1x128xi32, #tpu.memory_space<vmem>> -> memref<128xi32, #tpu.memory_space<vmem>>
    %dma_start3A_10 = arith.constant 0 : i32
    %dma_start3A_11 = arith.constant 0 : i32
    %dma_start3A_12 = tpu.memref_slice %arg2[%dma_start3A_10, %dma_start3A_11] : memref<10112x128xf32, #tpu.memory_space<hbm>> -> memref<10112x128xf32, #tpu.memory_space<hbm>>
    tpu.enqueue_indirect_dma source(%dma_start3A_12 : memref<10112x128xf32, #tpu.memory_space<hbm>>) target(%arg9 : memref<128x128xf32, #tpu.memory_space<vmem>>) offsets(%dma_start3A_9 : memref<128xi32, #tpu.memory_space<vmem>>) semaphore(%arg12 : memref<!tpu.dma_semaphore, #tpu.memory_space<semaphore_mem>>)
    %dma_start3A_13 = arith.constant 1 : i32
    %dma_start3A_14 = arith.constant 0 : i32
    %dma_start3A_15 = tpu.memref_slice %arg7[%dma_start3A_13, %dma_start3A_14] : memref<40x128xi32, #tpu.memory_space<vmem>> -> memref<1x128xi32, #tpu.memory_space<vmem>>
    %dma_start3A_16 = tpu.memref_squeeze %dma_start3A_15 : memref<1x128xi32, #tpu.memory_space<vmem>> -> memref<128xi32, #tpu.memory_space<vmem>>
    %dma_start3A_17 = arith.constant 0 : i32
    %dma_start3A_18 = arith.constant 0 : i32
    %dma_start3A_19 = tpu.memref_slice %arg2[%dma_start3A_17, %dma_start3A_18] : memref<10112x128xf32, #tpu.memory_space<hbm>> -> memref<10112x128xf32, #tpu.memory_space<hbm>>
    tpu.enqueue_indirect_dma source(%dma_start3A_19 : memref<10112x128xf32, #tpu.memory_space<hbm>>) target(%arg10 : memref<128x128xf32, #tpu.memory_space<vmem>>) offsets(%dma_start3A_16 : memref<128xi32, #tpu.memory_space<vmem>>) semaphore(%arg13 : memref<!tpu.dma_semaphore, #tpu.memory_space<semaphore_mem>>)
    %scan3A = arith.constant 0 : i32
    %scan3A_20 = arith.constant 20 : i32
    %scan3A_21 = arith.addi %scan3A, %scan3A_20 : i32
    %scan3A_22 = arith.constant 1 : i32
    scf.for %scan3A_46 = %scan3A to %scan3A_21 step %scan3A_22  : i32 {
      %mul3A_47 = arith.constant 2 : i32
      %mul3A_48 = arith.muli %scan3A_46, %mul3A_47 : i32
      %add3A_49 = arith.constant 0 : i32
      %add3A_50 = arith.addi %add3A_49, %mul3A_48 : i32
      %add3A_51 = arith.constant 0 : i32
      %add3A_52 = arith.addi %add3A_50, %add3A_51 : i32
      %dma_wait3A = arith.constant 0 : i32
      %dma_wait3A_53 = tpu.memref_slice %arg7[%add3A_52, %dma_wait3A] : memref<40x128xi32, #tpu.memory_space<vmem>> -> memref<1x128xi32, #tpu.memory_space<vmem>>
      %dma_wait3A_54 = tpu.memref_squeeze %dma_wait3A_53 : memref<1x128xi32, #tpu.memory_space<vmem>> -> memref<128xi32, #tpu.memory_space<vmem>>
      %dma_wait3A_55 = arith.constant 0 : i32
      %dma_wait3A_56 = arith.constant 0 : i32
      %dma_wait3A_57 = tpu.memref_slice %arg2[%dma_wait3A_55, %dma_wait3A_56] : memref<10112x128xf32, #tpu.memory_space<hbm>> -> memref<10112x128xf32, #tpu.memory_space<hbm>>
      tpu.wait_indirect_dma semaphore(%arg12 : memref<!tpu.dma_semaphore, #tpu.memory_space<semaphore_mem>>) src(%dma_wait3A_57 : memref<10112x128xf32, #tpu.memory_space<hbm>>) dst(%arg9 : memref<128x128xf32, #tpu.memory_space<vmem>>)
      "tpu.region"() ({
        %run_scoped3A = tpu.sem_alloc : memref<!tpu.dma_semaphore, #tpu.memory_space<semaphore_mem>>
        %dma_start3A_77 = arith.constant 0 : i32
        %dma_start3A_78 = tpu.memref_slice %arg8[%add3A_52, %dma_start3A_77] : memref<40x128xi32, #tpu.memory_space<vmem>> -> memref<1x128xi32, #tpu.memory_space<vmem>>
        %dma_start3A_79 = tpu.memref_squeeze %dma_start3A_78 : memref<1x128xi32, #tpu.memory_space<vmem>> -> memref<128xi32, #tpu.memory_space<vmem>>
        %dma_start3A_80 = arith.constant 0 : i32
        %dma_start3A_81 = arith.constant 0 : i32
        %dma_start3A_82 = tpu.memref_slice %arg11[%dma_start3A_80, %dma_start3A_81] : memref<10112x128xf32, #tpu.memory_space<vmem_shared>> -> memref<10112x128xf32, #tpu.memory_space<vmem_shared>>
        tpu.enqueue_indirect_dma source(%arg9 : memref<128x128xf32, #tpu.memory_space<vmem>>) target(%dma_start3A_82 : memref<10112x128xf32, #tpu.memory_space<vmem_shared>>) offsets(%dma_start3A_79 : memref<128xi32, #tpu.memory_space<vmem>>) semaphore(%run_scoped3A : memref<!tpu.dma_semaphore, #tpu.memory_space<semaphore_mem>>) {add = true}
        %dma_wait3A_83 = arith.constant 0 : i32
        %dma_wait3A_84 = tpu.memref_slice %arg8[%add3A_52, %dma_wait3A_83] : memref<40x128xi32, #tpu.memory_space<vmem>> -> memref<1x128xi32, #tpu.memory_space<vmem>>
        %dma_wait3A_85 = tpu.memref_squeeze %dma_wait3A_84 : memref<1x128xi32, #tpu.memory_space<vmem>> -> memref<128xi32, #tpu.memory_space<vmem>>
        %dma_wait3A_86 = arith.constant 0 : i32
        %dma_wait3A_87 = arith.constant 0 : i32
        %dma_wait3A_88 = tpu.memref_slice %arg11[%dma_wait3A_86, %dma_wait3A_87] : memref<10112x128xf32, #tpu.memory_space<vmem_shared>> -> memref<10112x128xf32, #tpu.memory_space<vmem_shared>>
        tpu.wait_indirect_dma semaphore(%run_scoped3A : memref<!tpu.dma_semaphore, #tpu.memory_space<semaphore_mem>>) src(%arg9 : memref<128x128xf32, #tpu.memory_space<vmem>>) dst(%dma_wait3A_88 : memref<10112x128xf32, #tpu.memory_space<vmem_shared>>)
        tpu.yield
      }) : () -> ()
      %add3A_58 = arith.constant 2 : i32
      %add3A_59 = arith.addi %add3A_52, %add3A_58 : i32
      %lt3A = arith.constant 40 : i32
      %lt3A_60 = arith.cmpi slt, %add3A_59, %lt3A : i32
      %convert_element_type3A = arith.extui %lt3A_60 : i1 to i32
      %cond3A = arith.constant 0 : i32
      %cond3A_61 = arith.cmpi ne, %convert_element_type3A, %cond3A : i32
      scf.if %cond3A_61 {
        %dma_start3A_77 = arith.constant 0 : i32
        %dma_start3A_78 = tpu.memref_slice %arg7[%add3A_59, %dma_start3A_77] : memref<40x128xi32, #tpu.memory_space<vmem>> -> memref<1x128xi32, #tpu.memory_space<vmem>>
        %dma_start3A_79 = tpu.memref_squeeze %dma_start3A_78 : memref<1x128xi32, #tpu.memory_space<vmem>> -> memref<128xi32, #tpu.memory_space<vmem>>
        %dma_start3A_80 = arith.constant 0 : i32
        %dma_start3A_81 = arith.constant 0 : i32
        %dma_start3A_82 = tpu.memref_slice %arg2[%dma_start3A_80, %dma_start3A_81] : memref<10112x128xf32, #tpu.memory_space<hbm>> -> memref<10112x128xf32, #tpu.memory_space<hbm>>
        tpu.enqueue_indirect_dma source(%dma_start3A_82 : memref<10112x128xf32, #tpu.memory_space<hbm>>) target(%arg9 : memref<128x128xf32, #tpu.memory_space<vmem>>) offsets(%dma_start3A_79 : memref<128xi32, #tpu.memory_space<vmem>>) semaphore(%arg12 : memref<!tpu.dma_semaphore, #tpu.memory_space<semaphore_mem>>)
      } else {
      }
      %add3A_62 = arith.constant 1 : i32
      %add3A_63 = arith.addi %add3A_50, %add3A_62 : i32
      %dma_wait3A_64 = arith.constant 0 : i32
      %dma_wait3A_65 = tpu.memref_slice %arg7[%add3A_63, %dma_wait3A_64] : memref<40x128xi32, #tpu.memory_space<vmem>> -> memref<1x128xi32, #tpu.memory_space<vmem>>
      %dma_wait3A_66 = tpu.memref_squeeze %dma_wait3A_65 : memref<1x128xi32, #tpu.memory_space<vmem>> -> memref<128xi32, #tpu.memory_space<vmem>>
      %dma_wait3A_67 = arith.constant 0 : i32
      %dma_wait3A_68 = arith.constant 0 : i32
      %dma_wait3A_69 = tpu.memref_slice %arg2[%dma_wait3A_67, %dma_wait3A_68] : memref<10112x128xf32, #tpu.memory_space<hbm>> -> memref<10112x128xf32, #tpu.memory_space<hbm>>
      tpu.wait_indirect_dma semaphore(%arg13 : memref<!tpu.dma_semaphore, #tpu.memory_space<semaphore_mem>>) src(%dma_wait3A_69 : memref<10112x128xf32, #tpu.memory_space<hbm>>) dst(%arg10 : memref<128x128xf32, #tpu.memory_space<vmem>>)
      "tpu.region"() ({
        %run_scoped3A = tpu.sem_alloc : memref<!tpu.dma_semaphore, #tpu.memory_space<semaphore_mem>>
        %dma_start3A_77 = arith.constant 0 : i32
        %dma_start3A_78 = tpu.memref_slice %arg8[%add3A_63, %dma_start3A_77] : memref<40x128xi32, #tpu.memory_space<vmem>> -> memref<1x128xi32, #tpu.memory_space<vmem>>
        %dma_start3A_79 = tpu.memref_squeeze %dma_start3A_78 : memref<1x128xi32, #tpu.memory_space<vmem>> -> memref<128xi32, #tpu.memory_space<vmem>>
        %dma_start3A_80 = arith.constant 0 : i32
        %dma_start3A_81 = arith.constant 0 : i32
        %dma_start3A_82 = tpu.memref_slice %arg11[%dma_start3A_80, %dma_start3A_81] : memref<10112x128xf32, #tpu.memory_space<vmem_shared>> -> memref<10112x128xf32, #tpu.memory_space<vmem_shared>>
        tpu.enqueue_indirect_dma source(%arg10 : memref<128x128xf32, #tpu.memory_space<vmem>>) target(%dma_start3A_82 : memref<10112x128xf32, #tpu.memory_space<vmem_shared>>) offsets(%dma_start3A_79 : memref<128xi32, #tpu.memory_space<vmem>>) semaphore(%run_scoped3A : memref<!tpu.dma_semaphore, #tpu.memory_space<semaphore_mem>>) {add = true}
        %dma_wait3A_83 = arith.constant 0 : i32
        %dma_wait3A_84 = tpu.memref_slice %arg8[%add3A_63, %dma_wait3A_83] : memref<40x128xi32, #tpu.memory_space<vmem>> -> memref<1x128xi32, #tpu.memory_space<vmem>>
        %dma_wait3A_85 = tpu.memref_squeeze %dma_wait3A_84 : memref<1x128xi32, #tpu.memory_space<vmem>> -> memref<128xi32, #tpu.memory_space<vmem>>
        %dma_wait3A_86 = arith.constant 0 : i32
        %dma_wait3A_87 = arith.constant 0 : i32
        %dma_wait3A_88 = tpu.memref_slice %arg11[%dma_wait3A_86, %dma_wait3A_87] : memref<10112x128xf32, #tpu.memory_space<vmem_shared>> -> memref<10112x128xf32, #tpu.memory_space<vmem_shared>>
        tpu.wait_indirect_dma semaphore(%run_scoped3A : memref<!tpu.dma_semaphore, #tpu.memory_space<semaphore_mem>>) src(%arg10 : memref<128x128xf32, #tpu.memory_space<vmem>>) dst(%dma_wait3A_88 : memref<10112x128xf32, #tpu.memory_space<vmem_shared>>)
        tpu.yield
      }) : () -> ()
      %add3A_70 = arith.constant 2 : i32
      %add3A_71 = arith.addi %add3A_63, %add3A_70 : i32
      %lt3A_72 = arith.constant 40 : i32
      %lt3A_73 = arith.cmpi slt, %add3A_71, %lt3A_72 : i32
      %convert_element_type3A_74 = arith.extui %lt3A_73 : i1 to i32
      %cond3A_75 = arith.constant 0 : i32
      %cond3A_76 = arith.cmpi ne, %convert_element_type3A_74, %cond3A_75 : i32
      scf.if %cond3A_76 {
        %dma_start3A_77 = arith.constant 0 : i32
        %dma_start3A_78 = tpu.memref_slice %arg7[%add3A_71, %dma_start3A_77] : memref<40x128xi32, #tpu.memory_space<vmem>> -> memref<1x128xi32, #tpu.memory_space<vmem>>
        %dma_start3A_79 = tpu.memref_squeeze %dma_start3A_78 : memref<1x128xi32, #tpu.memory_space<vmem>> -> memref<128xi32, #tpu.memory_space<vmem>>
        %dma_start3A_80 = arith.constant 0 : i32
        %dma_start3A_81 = arith.constant 0 : i32
        %dma_start3A_82 = tpu.memref_slice %arg2[%dma_start3A_80, %dma_start3A_81] : memref<10112x128xf32, #tpu.memory_space<hbm>> -> memref<10112x128xf32, #tpu.memory_space<hbm>>
        tpu.enqueue_indirect_dma source(%dma_start3A_82 : memref<10112x128xf32, #tpu.memory_space<hbm>>) target(%arg10 : memref<128x128xf32, #tpu.memory_space<vmem>>) offsets(%dma_start3A_79 : memref<128xi32, #tpu.memory_space<vmem>>) semaphore(%arg13 : memref<!tpu.dma_semaphore, #tpu.memory_space<semaphore_mem>>)
      } else {
      }
    }
    %scan3A_23 = arith.constant 20 : i32
    %add3A_24 = arith.constant 40 : i32
    %add3A_25 = arith.addi %mul3A_4, %add3A_24 : i32
    "tpu.region"() ({
      %run_scoped3A = tpu.sem_alloc : memref<!tpu.dma_semaphore, #tpu.memory_space<semaphore_mem>>
      %dma_start3A_46 = arith.constant 0 : i32
      %dma_start3A_47 = arith.constant 0 : i32
      %dma_start3A_48 = tpu.memref_slice %arg7[%dma_start3A_46, %dma_start3A_47] : memref<40x128xi32, #tpu.memory_space<vmem>> -> memref<40x128xi32, #tpu.memory_space<vmem>>
      %dma_start3A_49 = arith.constant 0 : i32
      %dma_start3A_50 = tpu.memref_slice %arg3[%add3A_25, %dma_start3A_49] : memref<2560x128xi32, #tpu.memory_space<hbm>> -> memref<40x128xi32, #tpu.memory_space<hbm>>
      %dma_start3A_51 = arith.constant 0 : i32
      %dma_start3A_52 = arith.constant 0 : i32
      %dma_start3A_53 = tpu.memref_slice %arg7[%dma_start3A_51, %dma_start3A_52] : memref<40x128xi32, #tpu.memory_space<vmem>> -> memref<40x128xi32, #tpu.memory_space<vmem>>
      %dma_start3A_54 = arith.constant 0 : i32
      %dma_start3A_55 = tpu.memref_slice %arg3[%add3A_25, %dma_start3A_54] : memref<2560x128xi32, #tpu.memory_space<hbm>> -> memref<40x128xi32, #tpu.memory_space<hbm>>
      tpu.enqueue_dma source(%dma_start3A_55 : memref<40x128xi32, #tpu.memory_space<hbm>>) target(%dma_start3A_53 : memref<40x128xi32, #tpu.memory_space<vmem>>) target_semaphore(%run_scoped3A : memref<!tpu.dma_semaphore, #tpu.memory_space<semaphore_mem>>)
      %dma_wait3A = arith.constant 0 : i32
      %dma_wait3A_56 = arith.constant 0 : i32
      %dma_wait3A_57 = tpu.memref_slice %arg7[%dma_wait3A, %dma_wait3A_56] : memref<40x128xi32, #tpu.memory_space<vmem>> -> memref<40x128xi32, #tpu.memory_space<vmem>>
      %dma_wait3A_58 = arith.constant 0 : i32
      %dma_wait3A_59 = tpu.memref_slice %arg3[%add3A_25, %dma_wait3A_58] : memref<2560x128xi32, #tpu.memory_space<hbm>> -> memref<40x128xi32, #tpu.memory_space<hbm>>
      %dma_wait3A_60 = arith.constant 0 : i32
      %dma_wait3A_61 = arith.constant 0 : i32
      %dma_wait3A_62 = tpu.memref_slice %arg7[%dma_wait3A_60, %dma_wait3A_61] : memref<40x128xi32, #tpu.memory_space<vmem>> -> memref<40x128xi32, #tpu.memory_space<vmem>>
      %dma_wait3A_63 = arith.constant 0 : i32
      %dma_wait3A_64 = tpu.memref_slice %arg3[%add3A_25, %dma_wait3A_63] : memref<2560x128xi32, #tpu.memory_space<hbm>> -> memref<40x128xi32, #tpu.memory_space<hbm>>
      tpu.wait_dma2 semaphore(%run_scoped3A : memref<!tpu.dma_semaphore, #tpu.memory_space<semaphore_mem>>) src(%dma_wait3A_64 : memref<40x128xi32, #tpu.memory_space<hbm>>) dst(%dma_wait3A_62 : memref<40x128xi32, #tpu.memory_space<vmem>>)
      tpu.yield
    }) : () -> ()
    "tpu.region"() ({
      %run_scoped3A = tpu.sem_alloc : memref<!tpu.dma_semaphore, #tpu.memory_space<semaphore_mem>>
      %dma_start3A_46 = arith.constant 0 : i32
      %dma_start3A_47 = arith.constant 0 : i32
      %dma_start3A_48 = tpu.memref_slice %arg8[%dma_start3A_46, %dma_start3A_47] : memref<40x128xi32, #tpu.memory_space<vmem>> -> memref<40x128xi32, #tpu.memory_space<vmem>>
      %dma_start3A_49 = arith.constant 0 : i32
      %dma_start3A_50 = tpu.memref_slice %arg4[%add3A_25, %dma_start3A_49] : memref<2560x128xi32, #tpu.memory_space<hbm>> -> memref<40x128xi32, #tpu.memory_space<hbm>>
      %dma_start3A_51 = arith.constant 0 : i32
      %dma_start3A_52 = arith.constant 0 : i32
      %dma_start3A_53 = tpu.memref_slice %arg8[%dma_start3A_51, %dma_start3A_52] : memref<40x128xi32, #tpu.memory_space<vmem>> -> memref<40x128xi32, #tpu.memory_space<vmem>>
      %dma_start3A_54 = arith.constant 0 : i32
      %dma_start3A_55 = tpu.memref_slice %arg4[%add3A_25, %dma_start3A_54] : memref<2560x128xi32, #tpu.memory_space<hbm>> -> memref<40x128xi32, #tpu.memory_space<hbm>>
      tpu.enqueue_dma source(%dma_start3A_55 : memref<40x128xi32, #tpu.memory_space<hbm>>) target(%dma_start3A_53 : memref<40x128xi32, #tpu.memory_space<vmem>>) target_semaphore(%run_scoped3A : memref<!tpu.dma_semaphore, #tpu.memory_space<semaphore_mem>>)
      %dma_wait3A = arith.constant 0 : i32
      %dma_wait3A_56 = arith.constant 0 : i32
      %dma_wait3A_57 = tpu.memref_slice %arg8[%dma_wait3A, %dma_wait3A_56] : memref<40x128xi32, #tpu.memory_space<vmem>> -> memref<40x128xi32, #tpu.memory_space<vmem>>
      %dma_wait3A_58 = arith.constant 0 : i32
      %dma_wait3A_59 = tpu.memref_slice %arg4[%add3A_25, %dma_wait3A_58] : memref<2560x128xi32, #tpu.memory_space<hbm>> -> memref<40x128xi32, #tpu.memory_space<hbm>>
      %dma_wait3A_60 = arith.constant 0 : i32
      %dma_wait3A_61 = arith.constant 0 : i32
      %dma_wait3A_62 = tpu.memref_slice %arg8[%dma_wait3A_60, %dma_wait3A_61] : memref<40x128xi32, #tpu.memory_space<vmem>> -> memref<40x128xi32, #tpu.memory_space<vmem>>
      %dma_wait3A_63 = arith.constant 0 : i32
      %dma_wait3A_64 = tpu.memref_slice %arg4[%add3A_25, %dma_wait3A_63] : memref<2560x128xi32, #tpu.memory_space<hbm>> -> memref<40x128xi32, #tpu.memory_space<hbm>>
      tpu.wait_dma2 semaphore(%run_scoped3A : memref<!tpu.dma_semaphore, #tpu.memory_space<semaphore_mem>>) src(%dma_wait3A_64 : memref<40x128xi32, #tpu.memory_space<hbm>>) dst(%dma_wait3A_62 : memref<40x128xi32, #tpu.memory_space<vmem>>)
      tpu.yield
    }) : () -> ()
    %dma_start3A_26 = arith.constant 0 : i32
    %dma_start3A_27 = arith.constant 0 : i32
    %dma_start3A_28 = tpu.memref_slice %arg7[%dma_start3A_26, %dma_start3A_27] : memref<40x128xi32, #tpu.memory_space<vmem>> -> memref<1x128xi32, #tpu.memory_space<vmem>>
    %dma_start3A_29 = tpu.memref_squeeze %dma_start3A_28 : memref<1x128xi32, #tpu.memory_space<vmem>> -> memref<128xi32, #tpu.memory_space<vmem>>
    %dma_start3A_30 = arith.constant 0 : i32
    %dma_start3A_31 = arith.constant 0 : i32
    %dma_start3A_32 = tpu.memref_slice %arg2[%dma_start3A_30, %dma_start3A_31] : memref<10112x128xf32, #tpu.memory_space<hbm>> -> memref<10112x128xf32, #tpu.memory_space<hbm>>
    tpu.enqueue_indirect_dma source(%dma_start3A_32 : memref<10112x128xf32, #tpu.memory_space<hbm>>) target(%arg9 : memref<128x128xf32, #tpu.memory_space<vmem>>) offsets(%dma_start3A_29 : memref<128xi32, #tpu.memory_space<vmem>>) semaphore(%arg12 : memref<!tpu.dma_semaphore, #tpu.memory_space<semaphore_mem>>)
    %dma_start3A_33 = arith.constant 1 : i32
    %dma_start3A_34 = arith.constant 0 : i32
    %dma_start3A_35 = tpu.memref_slice %arg7[%dma_start3A_33, %dma_start3A_34] : memref<40x128xi32, #tpu.memory_space<vmem>> -> memref<1x128xi32, #tpu.memory_space<vmem>>
    %dma_start3A_36 = tpu.memref_squeeze %dma_start3A_35 : memref<1x128xi32, #tpu.memory_space<vmem>> -> memref<128xi32, #tpu.memory_space<vmem>>
    %dma_start3A_37 = arith.constant 0 : i32
    %dma_start3A_38 = arith.constant 0 : i32
    %dma_start3A_39 = tpu.memref_slice %arg2[%dma_start3A_37, %dma_start3A_38] : memref<10112x128xf32, #tpu.memory_space<hbm>> -> memref<10112x128xf32, #tpu.memory_space<hbm>>
    tpu.enqueue_indirect_dma source(%dma_start3A_39 : memref<10112x128xf32, #tpu.memory_space<hbm>>) target(%arg10 : memref<128x128xf32, #tpu.memory_space<vmem>>) offsets(%dma_start3A_36 : memref<128xi32, #tpu.memory_space<vmem>>) semaphore(%arg13 : memref<!tpu.dma_semaphore, #tpu.memory_space<semaphore_mem>>)
    %scan3A_40 = arith.constant 0 : i32
    %scan3A_41 = arith.constant 20 : i32
    %scan3A_42 = arith.addi %scan3A_40, %scan3A_41 : i32
    %scan3A_43 = arith.constant 1 : i32
    scf.for %scan3A_46 = %scan3A_40 to %scan3A_42 step %scan3A_43  : i32 {
      %mul3A_47 = arith.constant 2 : i32
      %mul3A_48 = arith.muli %scan3A_46, %mul3A_47 : i32
      %add3A_49 = arith.constant 0 : i32
      %add3A_50 = arith.addi %add3A_49, %mul3A_48 : i32
      %add3A_51 = arith.constant 0 : i32
      %add3A_52 = arith.addi %add3A_50, %add3A_51 : i32
      %dma_wait3A = arith.constant 0 : i32
      %dma_wait3A_53 = tpu.memref_slice %arg7[%add3A_52, %dma_wait3A] : memref<40x128xi32, #tpu.memory_space<vmem>> -> memref<1x128xi32, #tpu.memory_space<vmem>>
      %dma_wait3A_54 = tpu.memref_squeeze %dma_wait3A_53 : memref<1x128xi32, #tpu.memory_space<vmem>> -> memref<128xi32, #tpu.memory_space<vmem>>
      %dma_wait3A_55 = arith.constant 0 : i32
      %dma_wait3A_56 = arith.constant 0 : i32
      %dma_wait3A_57 = tpu.memref_slice %arg2[%dma_wait3A_55, %dma_wait3A_56] : memref<10112x128xf32, #tpu.memory_space<hbm>> -> memref<10112x128xf32, #tpu.memory_space<hbm>>
      tpu.wait_indirect_dma semaphore(%arg12 : memref<!tpu.dma_semaphore, #tpu.memory_space<semaphore_mem>>) src(%dma_wait3A_57 : memref<10112x128xf32, #tpu.memory_space<hbm>>) dst(%arg9 : memref<128x128xf32, #tpu.memory_space<vmem>>)
      "tpu.region"() ({
        %run_scoped3A = tpu.sem_alloc : memref<!tpu.dma_semaphore, #tpu.memory_space<semaphore_mem>>
        %dma_start3A_77 = arith.constant 0 : i32
        %dma_start3A_78 = tpu.memref_slice %arg8[%add3A_52, %dma_start3A_77] : memref<40x128xi32, #tpu.memory_space<vmem>> -> memref<1x128xi32, #tpu.memory_space<vmem>>
        %dma_start3A_79 = tpu.memref_squeeze %dma_start3A_78 : memref<1x128xi32, #tpu.memory_space<vmem>> -> memref<128xi32, #tpu.memory_space<vmem>>
        %dma_start3A_80 = arith.constant 0 : i32
        %dma_start3A_81 = arith.constant 0 : i32
        %dma_start3A_82 = tpu.memref_slice %arg11[%dma_start3A_80, %dma_start3A_81] : memref<10112x128xf32, #tpu.memory_space<vmem_shared>> -> memref<10112x128xf32, #tpu.memory_space<vmem_shared>>
        tpu.enqueue_indirect_dma source(%arg9 : memref<128x128xf32, #tpu.memory_space<vmem>>) target(%dma_start3A_82 : memref<10112x128xf32, #tpu.memory_space<vmem_shared>>) offsets(%dma_start3A_79 : memref<128xi32, #tpu.memory_space<vmem>>) semaphore(%run_scoped3A : memref<!tpu.dma_semaphore, #tpu.memory_space<semaphore_mem>>) {add = true}
        %dma_wait3A_83 = arith.constant 0 : i32
        %dma_wait3A_84 = tpu.memref_slice %arg8[%add3A_52, %dma_wait3A_83] : memref<40x128xi32, #tpu.memory_space<vmem>> -> memref<1x128xi32, #tpu.memory_space<vmem>>
        %dma_wait3A_85 = tpu.memref_squeeze %dma_wait3A_84 : memref<1x128xi32, #tpu.memory_space<vmem>> -> memref<128xi32, #tpu.memory_space<vmem>>
        %dma_wait3A_86 = arith.constant 0 : i32
        %dma_wait3A_87 = arith.constant 0 : i32
        %dma_wait3A_88 = tpu.memref_slice %arg11[%dma_wait3A_86, %dma_wait3A_87] : memref<10112x128xf32, #tpu.memory_space<vmem_shared>> -> memref<10112x128xf32, #tpu.memory_space<vmem_shared>>
        tpu.wait_indirect_dma semaphore(%run_scoped3A : memref<!tpu.dma_semaphore, #tpu.memory_space<semaphore_mem>>) src(%arg9 : memref<128x128xf32, #tpu.memory_space<vmem>>) dst(%dma_wait3A_88 : memref<10112x128xf32, #tpu.memory_space<vmem_shared>>)
        tpu.yield
      }) : () -> ()
      %add3A_58 = arith.constant 2 : i32
      %add3A_59 = arith.addi %add3A_52, %add3A_58 : i32
      %lt3A = arith.constant 40 : i32
      %lt3A_60 = arith.cmpi slt, %add3A_59, %lt3A : i32
      %convert_element_type3A = arith.extui %lt3A_60 : i1 to i32
      %cond3A = arith.constant 0 : i32
      %cond3A_61 = arith.cmpi ne, %convert_element_type3A, %cond3A : i32
      scf.if %cond3A_61 {
        %dma_start3A_77 = arith.constant 0 : i32
        %dma_start3A_78 = tpu.memref_slice %arg7[%add3A_59, %dma_start3A_77] : memref<40x128xi32, #tpu.memory_space<vmem>> -> memref<1x128xi32, #tpu.memory_space<vmem>>
        %dma_start3A_79 = tpu.memref_squeeze %dma_start3A_78 : memref<1x128xi32, #tpu.memory_space<vmem>> -> memref<128xi32, #tpu.memory_space<vmem>>
        %dma_start3A_80 = arith.constant 0 : i32
        %dma_start3A_81 = arith.constant 0 : i32
        %dma_start3A_82 = tpu.memref_slice %arg2[%dma_start3A_80, %dma_start3A_81] : memref<10112x128xf32, #tpu.memory_space<hbm>> -> memref<10112x128xf32, #tpu.memory_space<hbm>>
        tpu.enqueue_indirect_dma source(%dma_start3A_82 : memref<10112x128xf32, #tpu.memory_space<hbm>>) target(%arg9 : memref<128x128xf32, #tpu.memory_space<vmem>>) offsets(%dma_start3A_79 : memref<128xi32, #tpu.memory_space<vmem>>) semaphore(%arg12 : memref<!tpu.dma_semaphore, #tpu.memory_space<semaphore_mem>>)
      } else {
      }
      %add3A_62 = arith.constant 1 : i32
      %add3A_63 = arith.addi %add3A_50, %add3A_62 : i32
      %dma_wait3A_64 = arith.constant 0 : i32
      %dma_wait3A_65 = tpu.memref_slice %arg7[%add3A_63, %dma_wait3A_64] : memref<40x128xi32, #tpu.memory_space<vmem>> -> memref<1x128xi32, #tpu.memory_space<vmem>>
      %dma_wait3A_66 = tpu.memref_squeeze %dma_wait3A_65 : memref<1x128xi32, #tpu.memory_space<vmem>> -> memref<128xi32, #tpu.memory_space<vmem>>
      %dma_wait3A_67 = arith.constant 0 : i32
      %dma_wait3A_68 = arith.constant 0 : i32
      %dma_wait3A_69 = tpu.memref_slice %arg2[%dma_wait3A_67, %dma_wait3A_68] : memref<10112x128xf32, #tpu.memory_space<hbm>> -> memref<10112x128xf32, #tpu.memory_space<hbm>>
      tpu.wait_indirect_dma semaphore(%arg13 : memref<!tpu.dma_semaphore, #tpu.memory_space<semaphore_mem>>) src(%dma_wait3A_69 : memref<10112x128xf32, #tpu.memory_space<hbm>>) dst(%arg10 : memref<128x128xf32, #tpu.memory_space<vmem>>)
      "tpu.region"() ({
        %run_scoped3A = tpu.sem_alloc : memref<!tpu.dma_semaphore, #tpu.memory_space<semaphore_mem>>
        %dma_start3A_77 = arith.constant 0 : i32
        %dma_start3A_78 = tpu.memref_slice %arg8[%add3A_63, %dma_start3A_77] : memref<40x128xi32, #tpu.memory_space<vmem>> -> memref<1x128xi32, #tpu.memory_space<vmem>>
        %dma_start3A_79 = tpu.memref_squeeze %dma_start3A_78 : memref<1x128xi32, #tpu.memory_space<vmem>> -> memref<128xi32, #tpu.memory_space<vmem>>
        %dma_start3A_80 = arith.constant 0 : i32
        %dma_start3A_81 = arith.constant 0 : i32
        %dma_start3A_82 = tpu.memref_slice %arg11[%dma_start3A_80, %dma_start3A_81] : memref<10112x128xf32, #tpu.memory_space<vmem_shared>> -> memref<10112x128xf32, #tpu.memory_space<vmem_shared>>
        tpu.enqueue_indirect_dma source(%arg10 : memref<128x128xf32, #tpu.memory_space<vmem>>) target(%dma_start3A_82 : memref<10112x128xf32, #tpu.memory_space<vmem_shared>>) offsets(%dma_start3A_79 : memref<128xi32, #tpu.memory_space<vmem>>) semaphore(%run_scoped3A : memref<!tpu.dma_semaphore, #tpu.memory_space<semaphore_mem>>) {add = true}
        %dma_wait3A_83 = arith.constant 0 : i32
        %dma_wait3A_84 = tpu.memref_slice %arg8[%add3A_63, %dma_wait3A_83] : memref<40x128xi32, #tpu.memory_space<vmem>> -> memref<1x128xi32, #tpu.memory_space<vmem>>
        %dma_wait3A_85 = tpu.memref_squeeze %dma_wait3A_84 : memref<1x128xi32, #tpu.memory_space<vmem>> -> memref<128xi32, #tpu.memory_space<vmem>>
        %dma_wait3A_86 = arith.constant 0 : i32
        %dma_wait3A_87 = arith.constant 0 : i32
        %dma_wait3A_88 = tpu.memref_slice %arg11[%dma_wait3A_86, %dma_wait3A_87] : memref<10112x128xf32, #tpu.memory_space<vmem_shared>> -> memref<10112x128xf32, #tpu.memory_space<vmem_shared>>
        tpu.wait_indirect_dma semaphore(%run_scoped3A : memref<!tpu.dma_semaphore, #tpu.memory_space<semaphore_mem>>) src(%arg10 : memref<128x128xf32, #tpu.memory_space<vmem>>) dst(%dma_wait3A_88 : memref<10112x128xf32, #tpu.memory_space<vmem_shared>>)
        tpu.yield
      }) : () -> ()
      %add3A_70 = arith.constant 2 : i32
      %add3A_71 = arith.addi %add3A_63, %add3A_70 : i32
      %lt3A_72 = arith.constant 40 : i32
      %lt3A_73 = arith.cmpi slt, %add3A_71, %lt3A_72 : i32
      %convert_element_type3A_74 = arith.extui %lt3A_73 : i1 to i32
      %cond3A_75 = arith.constant 0 : i32
      %cond3A_76 = arith.cmpi ne, %convert_element_type3A_74, %cond3A_75 : i32
      scf.if %cond3A_76 {
        %dma_start3A_77 = arith.constant 0 : i32
        %dma_start3A_78 = tpu.memref_slice %arg7[%add3A_71, %dma_start3A_77] : memref<40x128xi32, #tpu.memory_space<vmem>> -> memref<1x128xi32, #tpu.memory_space<vmem>>
        %dma_start3A_79 = tpu.memref_squeeze %dma_start3A_78 : memref<1x128xi32, #tpu.memory_space<vmem>> -> memref<128xi32, #tpu.memory_space<vmem>>
        %dma_start3A_80 = arith.constant 0 : i32
        %dma_start3A_81 = arith.constant 0 : i32
        %dma_start3A_82 = tpu.memref_slice %arg2[%dma_start3A_80, %dma_start3A_81] : memref<10112x128xf32, #tpu.memory_space<hbm>> -> memref<10112x128xf32, #tpu.memory_space<hbm>>
        tpu.enqueue_indirect_dma source(%dma_start3A_82 : memref<10112x128xf32, #tpu.memory_space<hbm>>) target(%arg10 : memref<128x128xf32, #tpu.memory_space<vmem>>) offsets(%dma_start3A_79 : memref<128xi32, #tpu.memory_space<vmem>>) semaphore(%arg13 : memref<!tpu.dma_semaphore, #tpu.memory_space<semaphore_mem>>)
      } else {
      }
    }
    %scan3A_44 = arith.constant 20 : i32
    %barrier3A_45 = arith.constant 0 : index
    tpu.barrier barrier_id(%barrier3A_45)
    "tpu.region"() ({
      %run_scoped3A = tpu.sem_alloc : memref<!tpu.dma_semaphore, #tpu.memory_space<semaphore_mem>>
      %dma_start3A_46 = arith.constant 0 : i32
      %dma_start3A_47 = arith.constant 0 : i32
      %dma_start3A_48 = tpu.memref_slice %arg6[%arg0, %dma_start3A_46, %dma_start3A_47] : memref<2x10112x128xf32, #tpu.memory_space<hbm>> -> memref<1x10112x128xf32, #tpu.memory_space<hbm>>
      %dma_start3A_49 = tpu.memref_squeeze %dma_start3A_48 : memref<1x10112x128xf32, #tpu.memory_space<hbm>> -> memref<10112x128xf32, #tpu.memory_space<hbm>>
      %dma_start3A_50 = arith.constant 0 : i32
      %dma_start3A_51 = tpu.memref_slice %dma_start3A_49[%mul3A_0, %dma_start3A_50] : memref<10112x128xf32, #tpu.memory_space<hbm>> -> memref<632x128xf32, #tpu.memory_space<hbm>>
      %dma_start3A_52 = arith.constant 0 : i32
      %dma_start3A_53 = tpu.memref_slice %arg11[%mul3A_0, %dma_start3A_52] : memref<10112x128xf32, #tpu.memory_space<vmem_shared>> -> memref<632x128xf32, #tpu.memory_space<vmem_shared>>
      tpu.enqueue_dma source(%dma_start3A_53 : memref<632x128xf32, #tpu.memory_space<vmem_shared>>) target(%dma_start3A_51 : memref<632x128xf32, #tpu.memory_space<hbm>>) target_semaphore(%run_scoped3A : memref<!tpu.dma_semaphore, #tpu.memory_space<semaphore_mem>>)
      %dma_wait3A = arith.constant 0 : i32
      %dma_wait3A_54 = arith.constant 0 : i32
      %dma_wait3A_55 = tpu.memref_slice %arg6[%arg0, %dma_wait3A, %dma_wait3A_54] : memref<2x10112x128xf32, #tpu.memory_space<hbm>> -> memref<1x10112x128xf32, #tpu.memory_space<hbm>>
      %dma_wait3A_56 = tpu.memref_squeeze %dma_wait3A_55 : memref<1x10112x128xf32, #tpu.memory_space<hbm>> -> memref<10112x128xf32, #tpu.memory_space<hbm>>
      %dma_wait3A_57 = arith.constant 0 : i32
      %dma_wait3A_58 = tpu.memref_slice %dma_wait3A_56[%mul3A_0, %dma_wait3A_57] : memref<10112x128xf32, #tpu.memory_space<hbm>> -> memref<632x128xf32, #tpu.memory_space<hbm>>
      %dma_wait3A_59 = arith.constant 0 : i32
      %dma_wait3A_60 = tpu.memref_slice %arg11[%mul3A_0, %dma_wait3A_59] : memref<10112x128xf32, #tpu.memory_space<vmem_shared>> -> memref<632x128xf32, #tpu.memory_space<vmem_shared>>
      tpu.wait_dma2 semaphore(%run_scoped3A : memref<!tpu.dma_semaphore, #tpu.memory_space<semaphore_mem>>) src(%dma_wait3A_60 : memref<632x128xf32, #tpu.memory_space<vmem_shared>>) dst(%dma_wait3A_58 : memref<632x128xf32, #tpu.memory_space<hbm>>)
      tpu.yield
    }) : () -> ()
    return
  }
}

#map = affine_map<(d0, d1) -> (0, 0)>
module attributes {stable_mosaic.version = 14 : i64} {
  func.func @_sc_degree(%arg0: i32, %arg1: i32, %arg2: memref<2560x128xi32, #tpu.memory_space<hbm>>, %arg3: memref<32x10112xf32, #tpu.memory_space<hbm>>, %arg4: memref<80x128xi32, #tpu.memory_space<vmem>>, %arg5: memref<10112xf32, #tpu.memory_space<vmem>>) attributes {dimension_semantics = [#tpu.dimension_semantics<core_parallel>, #tpu.dimension_semantics<subcore_parallel>], iteration_bounds = array<i64: 2, 16>, scalar_prefetch = 0 : i64, scratch_operands = 2 : i64, tpu.core_type = #tpu.core_type<sc_vector_subcore>, window_params = [{transform_indices = #map}, {transform_indices = #map}]} {
    %mul3A = arith.constant 2 : i32
    %mul3A_0 = arith.muli %arg1, %mul3A : i32
    %add3A = arith.addi %mul3A_0, %arg0 : i32
    %mul3A_1 = arith.constant 80 : i32
    %mul3A_2 = arith.muli %add3A, %mul3A_1 : i32
    "tpu.region"() ({
      %run_scoped3A = tpu.sem_alloc : memref<!tpu.dma_semaphore, #tpu.memory_space<semaphore_mem>>
      %dma_start3A = arith.constant 0 : i32
      %dma_start3A_13 = tpu.memref_slice %arg2[%mul3A_2, %dma_start3A] : memref<2560x128xi32, #tpu.memory_space<hbm>> -> memref<80x128xi32, #tpu.memory_space<hbm>>
      %dma_start3A_14 = arith.constant 0 : i32
      %dma_start3A_15 = tpu.memref_slice %arg2[%mul3A_2, %dma_start3A_14] : memref<2560x128xi32, #tpu.memory_space<hbm>> -> memref<80x128xi32, #tpu.memory_space<hbm>>
      tpu.enqueue_dma source(%dma_start3A_15 : memref<80x128xi32, #tpu.memory_space<hbm>>) target(%arg4 : memref<80x128xi32, #tpu.memory_space<vmem>>) target_semaphore(%run_scoped3A : memref<!tpu.dma_semaphore, #tpu.memory_space<semaphore_mem>>)
      %dma_wait3A = arith.constant 0 : i32
      %dma_wait3A_16 = tpu.memref_slice %arg2[%mul3A_2, %dma_wait3A] : memref<2560x128xi32, #tpu.memory_space<hbm>> -> memref<80x128xi32, #tpu.memory_space<hbm>>
      %dma_wait3A_17 = arith.constant 0 : i32
      %dma_wait3A_18 = tpu.memref_slice %arg2[%mul3A_2, %dma_wait3A_17] : memref<2560x128xi32, #tpu.memory_space<hbm>> -> memref<80x128xi32, #tpu.memory_space<hbm>>
      tpu.wait_dma2 semaphore(%run_scoped3A : memref<!tpu.dma_semaphore, #tpu.memory_space<semaphore_mem>>) src(%dma_wait3A_18 : memref<80x128xi32, #tpu.memory_space<hbm>>) dst(%arg4 : memref<80x128xi32, #tpu.memory_space<vmem>>)
      tpu.yield
    }) : () -> ()
    %scan3A = arith.constant 0 : i32
    %scan3A_3 = arith.constant 632 : i32
    %scan3A_4 = arith.addi %scan3A, %scan3A_3 : i32
    %scan3A_5 = arith.constant 1 : i32
    scf.for %scan3A_13 = %scan3A to %scan3A_4 step %scan3A_5  : i32 {
      %mul3A_14 = arith.constant 1 : i32
      %mul3A_15 = arith.muli %scan3A_13, %mul3A_14 : i32
      %add3A_16 = arith.constant 0 : i32
      %add3A_17 = arith.addi %add3A_16, %mul3A_15 : i32
      %broadcast_in_dim3A_18 = arith.constant 0.000000e+00 : f32
      %broadcast_in_dim3A_19 = vector.broadcast %broadcast_in_dim3A_18 : f32 to vector<16xf32>
      %mul3A_20 = arith.constant 16 : i32
      %mul3A_21 = arith.muli %add3A_17, %mul3A_20 : i32
      %swap3A = arith.index_cast %mul3A_21 : i32 to index
      %swap3A_22 = tpu.vector_load %arg5[%swap3A] {strides = array<i32>} : memref<10112xf32, #tpu.memory_space<vmem>>, vector<16xf32>,
      tpu.vector_store %arg5[%swap3A], %broadcast_in_dim3A_19 {strides = array<i32>} : memref<10112xf32, #tpu.memory_space<vmem>>, vector<16xf32>,
    }
    %scan3A_6 = arith.constant 632 : i32
    %broadcast_in_dim3A = arith.constant 1.000000e+00 : f32
    %broadcast_in_dim3A_7 = vector.broadcast %broadcast_in_dim3A : f32 to vector<16xf32>
    %scan3A_8 = arith.constant 0 : i32
    %scan3A_9 = arith.constant 80 : i32
    %scan3A_10 = arith.addi %scan3A_8, %scan3A_9 : i32
    %scan3A_11 = arith.constant 1 : i32
    scf.for %scan3A_13 = %scan3A_8 to %scan3A_10 step %scan3A_11  : i32 {
      %mul3A_14 = arith.constant 1 : i32
      %mul3A_15 = arith.muli %scan3A_13, %mul3A_14 : i32
      %add3A_16 = arith.constant 0 : i32
      %add3A_17 = arith.addi %add3A_16, %mul3A_15 : i32
      %get3A = arith.index_cast %add3A_17 : i32 to index
      %get3A_18 = arith.constant 0 : index
      %get3A_19 = tpu.vector_load %arg4[%get3A, %get3A_18] {strides = array<i32>} : memref<80x128xi32, #tpu.memory_space<vmem>>, vector<16xi32>,
      tpu.vector_store_idx %arg5[%get3A_19], %broadcast_in_dim3A_7 {add = true} : memref<10112xf32, #tpu.memory_space<vmem>>[vector<16xi32>], vector<16xf32>,
      %get3A_20 = arith.index_cast %add3A_17 : i32 to index
      %get3A_21 = arith.constant 16 : index
      %get3A_22 = tpu.vector_load %arg4[%get3A_20, %get3A_21] {strides = array<i32>} : memref<80x128xi32, #tpu.memory_space<vmem>>, vector<16xi32>,
      tpu.vector_store_idx %arg5[%get3A_22], %broadcast_in_dim3A_7 {add = true} : memref<10112xf32, #tpu.memory_space<vmem>>[vector<16xi32>], vector<16xf32>,
      %get3A_23 = arith.index_cast %add3A_17 : i32 to index
      %get3A_24 = arith.constant 32 : index
      %get3A_25 = tpu.vector_load %arg4[%get3A_23, %get3A_24] {strides = array<i32>} : memref<80x128xi32, #tpu.memory_space<vmem>>, vector<16xi32>,
      tpu.vector_store_idx %arg5[%get3A_25], %broadcast_in_dim3A_7 {add = true} : memref<10112xf32, #tpu.memory_space<vmem>>[vector<16xi32>], vector<16xf32>,
      %get3A_26 = arith.index_cast %add3A_17 : i32 to index
      %get3A_27 = arith.constant 48 : index
      %get3A_28 = tpu.vector_load %arg4[%get3A_26, %get3A_27] {strides = array<i32>} : memref<80x128xi32, #tpu.memory_space<vmem>>, vector<16xi32>,
      tpu.vector_store_idx %arg5[%get3A_28], %broadcast_in_dim3A_7 {add = true} : memref<10112xf32, #tpu.memory_space<vmem>>[vector<16xi32>], vector<16xf32>,
      %get3A_29 = arith.index_cast %add3A_17 : i32 to index
      %get3A_30 = arith.constant 64 : index
      %get3A_31 = tpu.vector_load %arg4[%get3A_29, %get3A_30] {strides = array<i32>} : memref<80x128xi32, #tpu.memory_space<vmem>>, vector<16xi32>,
      tpu.vector_store_idx %arg5[%get3A_31], %broadcast_in_dim3A_7 {add = true} : memref<10112xf32, #tpu.memory_space<vmem>>[vector<16xi32>], vector<16xf32>,
      %get3A_32 = arith.index_cast %add3A_17 : i32 to index
      %get3A_33 = arith.constant 80 : index
      %get3A_34 = tpu.vector_load %arg4[%get3A_32, %get3A_33] {strides = array<i32>} : memref<80x128xi32, #tpu.memory_space<vmem>>, vector<16xi32>,
      tpu.vector_store_idx %arg5[%get3A_34], %broadcast_in_dim3A_7 {add = true} : memref<10112xf32, #tpu.memory_space<vmem>>[vector<16xi32>], vector<16xf32>,
      %get3A_35 = arith.index_cast %add3A_17 : i32 to index
      %get3A_36 = arith.constant 96 : index
      %get3A_37 = tpu.vector_load %arg4[%get3A_35, %get3A_36] {strides = array<i32>} : memref<80x128xi32, #tpu.memory_space<vmem>>, vector<16xi32>,
      tpu.vector_store_idx %arg5[%get3A_37], %broadcast_in_dim3A_7 {add = true} : memref<10112xf32, #tpu.memory_space<vmem>>[vector<16xi32>], vector<16xf32>,
      %get3A_38 = arith.index_cast %add3A_17 : i32 to index
      %get3A_39 = arith.constant 112 : index
      %get3A_40 = tpu.vector_load %arg4[%get3A_38, %get3A_39] {strides = array<i32>} : memref<80x128xi32, #tpu.memory_space<vmem>>, vector<16xi32>,
      tpu.vector_store_idx %arg5[%get3A_40], %broadcast_in_dim3A_7 {add = true} : memref<10112xf32, #tpu.memory_space<vmem>>[vector<16xi32>], vector<16xf32>,
    }
    %scan3A_12 = arith.constant 80 : i32
    "tpu.region"() ({
      %run_scoped3A = tpu.sem_alloc : memref<!tpu.dma_semaphore, #tpu.memory_space<semaphore_mem>>
      %dma_start3A = arith.constant 0 : i32
      %dma_start3A_13 = tpu.memref_slice %arg3[%add3A, %dma_start3A] : memref<32x10112xf32, #tpu.memory_space<hbm>> -> memref<1x10112xf32, #tpu.memory_space<hbm>>
      %dma_start3A_14 = tpu.memref_squeeze %dma_start3A_13 : memref<1x10112xf32, #tpu.memory_space<hbm>> -> memref<10112xf32, #tpu.memory_space<hbm>>
      %dma_start3A_15 = arith.constant 0 : i32
      %dma_start3A_16 = tpu.memref_slice %arg3[%add3A, %dma_start3A_15] : memref<32x10112xf32, #tpu.memory_space<hbm>> -> memref<1x10112xf32, #tpu.memory_space<hbm>>
      %dma_start3A_17 = tpu.memref_squeeze %dma_start3A_16 : memref<1x10112xf32, #tpu.memory_space<hbm>> -> memref<10112xf32, #tpu.memory_space<hbm>>
      tpu.enqueue_dma source(%arg5 : memref<10112xf32, #tpu.memory_space<vmem>>) target(%dma_start3A_17 : memref<10112xf32, #tpu.memory_space<hbm>>) target_semaphore(%run_scoped3A : memref<!tpu.dma_semaphore, #tpu.memory_space<semaphore_mem>>)
      %dma_wait3A = arith.constant 0 : i32
      %dma_wait3A_18 = tpu.memref_slice %arg3[%add3A, %dma_wait3A] : memref<32x10112xf32, #tpu.memory_space<hbm>> -> memref<1x10112xf32, #tpu.memory_space<hbm>>
      %dma_wait3A_19 = tpu.memref_squeeze %dma_wait3A_18 : memref<1x10112xf32, #tpu.memory_space<hbm>> -> memref<10112xf32, #tpu.memory_space<hbm>>
      %dma_wait3A_20 = arith.constant 0 : i32
      %dma_wait3A_21 = tpu.memref_slice %arg3[%add3A, %dma_wait3A_20] : memref<32x10112xf32, #tpu.memory_space<hbm>> -> memref<1x10112xf32, #tpu.memory_space<hbm>>
      %dma_wait3A_22 = tpu.memref_squeeze %dma_wait3A_21 : memref<1x10112xf32, #tpu.memory_space<hbm>> -> memref<10112xf32, #tpu.memory_space<hbm>>
      tpu.wait_dma2 semaphore(%run_scoped3A : memref<!tpu.dma_semaphore, #tpu.memory_space<semaphore_mem>>) src(%arg5 : memref<10112xf32, #tpu.memory_space<vmem>>) dst(%dma_wait3A_22 : memref<10112xf32, #tpu.memory_space<hbm>>)
      tpu.yield
    }) : () -> ()
    return
  }
}

#map = affine_map<(d0, d1) -> (0, 0)>
#map1 = affine_map<(d0, d1) -> (0, 0, 0)>
module attributes {stable_mosaic.version = 14 : i64} {
  func.func @_sc_messages(%arg0: i32, %arg1: i32, %arg2: memref<10112x128xf32, #tpu.memory_space<hbm>>, %arg3: memref<2560x128xi32, #tpu.memory_space<hbm>>, %arg4: memref<2560x128xi32, #tpu.memory_space<hbm>>, %arg5: memref<10112x128xf32, #tpu.memory_space<hbm>>, %arg6: memref<2x10112x128xf32, #tpu.memory_space<hbm>>, %arg7: memref<40x128xi32, #tpu.memory_space<vmem>>, %arg8: memref<40x128xi32, #tpu.memory_space<vmem>>, %arg9: memref<128x128xf32, #tpu.memory_space<vmem>>, %arg10: memref<128x128xf32, #tpu.memory_space<vmem>>, %arg11: memref<10112x128xf32, #tpu.memory_space<vmem_shared>>, %arg12: memref<!tpu.dma_semaphore, #tpu.memory_space<semaphore_mem>>, %arg13: memref<!tpu.dma_semaphore, #tpu.memory_space<semaphore_mem>>) attributes {dimension_semantics = [#tpu.dimension_semantics<core_parallel>, #tpu.dimension_semantics<subcore_parallel>], iteration_bounds = array<i64: 2, 16>, scalar_prefetch = 0 : i64, scratch_operands = 7 : i64, tpu.core_type = #tpu.core_type<sc_vector_subcore>, window_params = [{transform_indices = #map}, {transform_indices = #map}, {transform_indices = #map}, {transform_indices = #map}, {transform_indices = #map1}]} {
    %mul3A = arith.constant 632 : i32
    %mul3A_0 = arith.muli %arg1, %mul3A : i32
    "tpu.region"() ({
      %run_scoped3A = tpu.sem_alloc : memref<!tpu.dma_semaphore, #tpu.memory_space<semaphore_mem>>
      %dma_start3A_46 = arith.constant 0 : i32
      %dma_start3A_47 = tpu.memref_slice %arg11[%mul3A_0, %dma_start3A_46] : memref<10112x128xf32, #tpu.memory_space<vmem_shared>> -> memref<632x128xf32, #tpu.memory_space<vmem_shared>>
      %dma_start3A_48 = arith.constant 0 : i32
      %dma_start3A_49 = tpu.memref_slice %arg5[%mul3A_0, %dma_start3A_48] : memref<10112x128xf32, #tpu.memory_space<hbm>> -> memref<632x128xf32, #tpu.memory_space<hbm>>
      tpu.enqueue_dma source(%dma_start3A_49 : memref<632x128xf32, #tpu.memory_space<hbm>>) target(%dma_start3A_47 : memref<632x128xf32, #tpu.memory_space<vmem_shared>>) target_semaphore(%run_scoped3A : memref<!tpu.dma_semaphore, #tpu.memory_space<semaphore_mem>>)
      %dma_wait3A = arith.constant 0 : i32
      %dma_wait3A_50 = tpu.memref_slice %arg11[%mul3A_0, %dma_wait3A] : memref<10112x128xf32, #tpu.memory_space<vmem_shared>> -> memref<632x128xf32, #tpu.memory_space<vmem_shared>>
      %dma_wait3A_51 = arith.constant 0 : i32
      %dma_wait3A_52 = tpu.memref_slice %arg5[%mul3A_0, %dma_wait3A_51] : memref<10112x128xf32, #tpu.memory_space<hbm>> -> memref<632x128xf32, #tpu.memory_space<hbm>>
      tpu.wait_dma2 semaphore(%run_scoped3A : memref<!tpu.dma_semaphore, #tpu.memory_space<semaphore_mem>>) src(%dma_wait3A_52 : memref<632x128xf32, #tpu.memory_space<hbm>>) dst(%dma_wait3A_50 : memref<632x128xf32, #tpu.memory_space<vmem_shared>>)
      tpu.yield
    }) : () -> ()
    %barrier3A = arith.constant 0 : index
    tpu.barrier barrier_id(%barrier3A)
    %mul3A_1 = arith.constant 2 : i32
    %mul3A_2 = arith.muli %arg1, %mul3A_1 : i32
    %add3A = arith.addi %mul3A_2, %arg0 : i32
    %mul3A_3 = arith.constant 80 : i32
    %mul3A_4 = arith.muli %add3A, %mul3A_3 : i32
    %add3A_5 = arith.constant 0 : i32
    %add3A_6 = arith.addi %mul3A_4, %add3A_5 : i32
    "tpu.region"() ({
      %run_scoped3A = tpu.sem_alloc : memref<!tpu.dma_semaphore, #tpu.memory_space<semaphore_mem>>
      %dma_start3A_46 = arith.constant 0 : i32
      %dma_start3A_47 = arith.constant 0 : i32
      %dma_start3A_48 = tpu.memref_slice %arg7[%dma_start3A_46, %dma_start3A_47] : memref<40x128xi32, #tpu.memory_space<vmem>> -> memref<40x128xi32, #tpu.memory_space<vmem>>
      %dma_start3A_49 = arith.constant 0 : i32
      %dma_start3A_50 = tpu.memref_slice %arg3[%add3A_6, %dma_start3A_49] : memref<2560x128xi32, #tpu.memory_space<hbm>> -> memref<40x128xi32, #tpu.memory_space<hbm>>
      %dma_start3A_51 = arith.constant 0 : i32
      %dma_start3A_52 = arith.constant 0 : i32
      %dma_start3A_53 = tpu.memref_slice %arg7[%dma_start3A_51, %dma_start3A_52] : memref<40x128xi32, #tpu.memory_space<vmem>> -> memref<40x128xi32, #tpu.memory_space<vmem>>
      %dma_start3A_54 = arith.constant 0 : i32
      %dma_start3A_55 = tpu.memref_slice %arg3[%add3A_6, %dma_start3A_54] : memref<2560x128xi32, #tpu.memory_space<hbm>> -> memref<40x128xi32, #tpu.memory_space<hbm>>
      tpu.enqueue_dma source(%dma_start3A_55 : memref<40x128xi32, #tpu.memory_space<hbm>>) target(%dma_start3A_53 : memref<40x128xi32, #tpu.memory_space<vmem>>) target_semaphore(%run_scoped3A : memref<!tpu.dma_semaphore, #tpu.memory_space<semaphore_mem>>)
      %dma_wait3A = arith.constant 0 : i32
      %dma_wait3A_56 = arith.constant 0 : i32
      %dma_wait3A_57 = tpu.memref_slice %arg7[%dma_wait3A, %dma_wait3A_56] : memref<40x128xi32, #tpu.memory_space<vmem>> -> memref<40x128xi32, #tpu.memory_space<vmem>>
      %dma_wait3A_58 = arith.constant 0 : i32
      %dma_wait3A_59 = tpu.memref_slice %arg3[%add3A_6, %dma_wait3A_58] : memref<2560x128xi32, #tpu.memory_space<hbm>> -> memref<40x128xi32, #tpu.memory_space<hbm>>
      %dma_wait3A_60 = arith.constant 0 : i32
      %dma_wait3A_61 = arith.constant 0 : i32
      %dma_wait3A_62 = tpu.memref_slice %arg7[%dma_wait3A_60, %dma_wait3A_61] : memref<40x128xi32, #tpu.memory_space<vmem>> -> memref<40x128xi32, #tpu.memory_space<vmem>>
      %dma_wait3A_63 = arith.constant 0 : i32
      %dma_wait3A_64 = tpu.memref_slice %arg3[%add3A_6, %dma_wait3A_63] : memref<2560x128xi32, #tpu.memory_space<hbm>> -> memref<40x128xi32, #tpu.memory_space<hbm>>
      tpu.wait_dma2 semaphore(%run_scoped3A : memref<!tpu.dma_semaphore, #tpu.memory_space<semaphore_mem>>) src(%dma_wait3A_64 : memref<40x128xi32, #tpu.memory_space<hbm>>) dst(%dma_wait3A_62 : memref<40x128xi32, #tpu.memory_space<vmem>>)
      tpu.yield
    }) : () -> ()
    "tpu.region"() ({
      %run_scoped3A = tpu.sem_alloc : memref<!tpu.dma_semaphore, #tpu.memory_space<semaphore_mem>>
      %dma_start3A_46 = arith.constant 0 : i32
      %dma_start3A_47 = arith.constant 0 : i32
      %dma_start3A_48 = tpu.memref_slice %arg8[%dma_start3A_46, %dma_start3A_47] : memref<40x128xi32, #tpu.memory_space<vmem>> -> memref<40x128xi32, #tpu.memory_space<vmem>>
      %dma_start3A_49 = arith.constant 0 : i32
      %dma_start3A_50 = tpu.memref_slice %arg4[%add3A_6, %dma_start3A_49] : memref<2560x128xi32, #tpu.memory_space<hbm>> -> memref<40x128xi32, #tpu.memory_space<hbm>>
      %dma_start3A_51 = arith.constant 0 : i32
      %dma_start3A_52 = arith.constant 0 : i32
      %dma_start3A_53 = tpu.memref_slice %arg8[%dma_start3A_51, %dma_start3A_52] : memref<40x128xi32, #tpu.memory_space<vmem>> -> memref<40x128xi32, #tpu.memory_space<vmem>>
      %dma_start3A_54 = arith.constant 0 : i32
      %dma_start3A_55 = tpu.memref_slice %arg4[%add3A_6, %dma_start3A_54] : memref<2560x128xi32, #tpu.memory_space<hbm>> -> memref<40x128xi32, #tpu.memory_space<hbm>>
      tpu.enqueue_dma source(%dma_start3A_55 : memref<40x128xi32, #tpu.memory_space<hbm>>) target(%dma_start3A_53 : memref<40x128xi32, #tpu.memory_space<vmem>>) target_semaphore(%run_scoped3A : memref<!tpu.dma_semaphore, #tpu.memory_space<semaphore_mem>>)
      %dma_wait3A = arith.constant 0 : i32
      %dma_wait3A_56 = arith.constant 0 : i32
      %dma_wait3A_57 = tpu.memref_slice %arg8[%dma_wait3A, %dma_wait3A_56] : memref<40x128xi32, #tpu.memory_space<vmem>> -> memref<40x128xi32, #tpu.memory_space<vmem>>
      %dma_wait3A_58 = arith.constant 0 : i32
      %dma_wait3A_59 = tpu.memref_slice %arg4[%add3A_6, %dma_wait3A_58] : memref<2560x128xi32, #tpu.memory_space<hbm>> -> memref<40x128xi32, #tpu.memory_space<hbm>>
      %dma_wait3A_60 = arith.constant 0 : i32
      %dma_wait3A_61 = arith.constant 0 : i32
      %dma_wait3A_62 = tpu.memref_slice %arg8[%dma_wait3A_60, %dma_wait3A_61] : memref<40x128xi32, #tpu.memory_space<vmem>> -> memref<40x128xi32, #tpu.memory_space<vmem>>
      %dma_wait3A_63 = arith.constant 0 : i32
      %dma_wait3A_64 = tpu.memref_slice %arg4[%add3A_6, %dma_wait3A_63] : memref<2560x128xi32, #tpu.memory_space<hbm>> -> memref<40x128xi32, #tpu.memory_space<hbm>>
      tpu.wait_dma2 semaphore(%run_scoped3A : memref<!tpu.dma_semaphore, #tpu.memory_space<semaphore_mem>>) src(%dma_wait3A_64 : memref<40x128xi32, #tpu.memory_space<hbm>>) dst(%dma_wait3A_62 : memref<40x128xi32, #tpu.memory_space<vmem>>)
      tpu.yield
    }) : () -> ()
    %dma_start3A = arith.constant 0 : i32
    %dma_start3A_7 = arith.constant 0 : i32
    %dma_start3A_8 = tpu.memref_slice %arg7[%dma_start3A, %dma_start3A_7] : memref<40x128xi32, #tpu.memory_space<vmem>> -> memref<1x128xi32, #tpu.memory_space<vmem>>
    %dma_start3A_9 = tpu.memref_squeeze %dma_start3A_8 : memref<1x128xi32, #tpu.memory_space<vmem>> -> memref<128xi32, #tpu.memory_space<vmem>>
    %dma_start3A_10 = arith.constant 0 : i32
    %dma_start3A_11 = arith.constant 0 : i32
    %dma_start3A_12 = tpu.memref_slice %arg2[%dma_start3A_10, %dma_start3A_11] : memref<10112x128xf32, #tpu.memory_space<hbm>> -> memref<10112x128xf32, #tpu.memory_space<hbm>>
    tpu.enqueue_indirect_dma source(%dma_start3A_12 : memref<10112x128xf32, #tpu.memory_space<hbm>>) target(%arg9 : memref<128x128xf32, #tpu.memory_space<vmem>>) offsets(%dma_start3A_9 : memref<128xi32, #tpu.memory_space<vmem>>) semaphore(%arg12 : memref<!tpu.dma_semaphore, #tpu.memory_space<semaphore_mem>>)
    %dma_start3A_13 = arith.constant 1 : i32
    %dma_start3A_14 = arith.constant 0 : i32
    %dma_start3A_15 = tpu.memref_slice %arg7[%dma_start3A_13, %dma_start3A_14] : memref<40x128xi32, #tpu.memory_space<vmem>> -> memref<1x128xi32, #tpu.memory_space<vmem>>
    %dma_start3A_16 = tpu.memref_squeeze %dma_start3A_15 : memref<1x128xi32, #tpu.memory_space<vmem>> -> memref<128xi32, #tpu.memory_space<vmem>>
    %dma_start3A_17 = arith.constant 0 : i32
    %dma_start3A_18 = arith.constant 0 : i32
    %dma_start3A_19 = tpu.memref_slice %arg2[%dma_start3A_17, %dma_start3A_18] : memref<10112x128xf32, #tpu.memory_space<hbm>> -> memref<10112x128xf32, #tpu.memory_space<hbm>>
    tpu.enqueue_indirect_dma source(%dma_start3A_19 : memref<10112x128xf32, #tpu.memory_space<hbm>>) target(%arg10 : memref<128x128xf32, #tpu.memory_space<vmem>>) offsets(%dma_start3A_16 : memref<128xi32, #tpu.memory_space<vmem>>) semaphore(%arg13 : memref<!tpu.dma_semaphore, #tpu.memory_space<semaphore_mem>>)
    %scan3A = arith.constant 0 : i32
    %scan3A_20 = arith.constant 20 : i32
    %scan3A_21 = arith.addi %scan3A, %scan3A_20 : i32
    %scan3A_22 = arith.constant 1 : i32
    scf.for %scan3A_46 = %scan3A to %scan3A_21 step %scan3A_22  : i32 {
      %mul3A_47 = arith.constant 2 : i32
      %mul3A_48 = arith.muli %scan3A_46, %mul3A_47 : i32
      %add3A_49 = arith.constant 0 : i32
      %add3A_50 = arith.addi %add3A_49, %mul3A_48 : i32
      %add3A_51 = arith.constant 0 : i32
      %add3A_52 = arith.addi %add3A_50, %add3A_51 : i32
      %dma_wait3A = arith.constant 0 : i32
      %dma_wait3A_53 = tpu.memref_slice %arg7[%add3A_52, %dma_wait3A] : memref<40x128xi32, #tpu.memory_space<vmem>> -> memref<1x128xi32, #tpu.memory_space<vmem>>
      %dma_wait3A_54 = tpu.memref_squeeze %dma_wait3A_53 : memref<1x128xi32, #tpu.memory_space<vmem>> -> memref<128xi32, #tpu.memory_space<vmem>>
      %dma_wait3A_55 = arith.constant 0 : i32
      %dma_wait3A_56 = arith.constant 0 : i32
      %dma_wait3A_57 = tpu.memref_slice %arg2[%dma_wait3A_55, %dma_wait3A_56] : memref<10112x128xf32, #tpu.memory_space<hbm>> -> memref<10112x128xf32, #tpu.memory_space<hbm>>
      tpu.wait_indirect_dma semaphore(%arg12 : memref<!tpu.dma_semaphore, #tpu.memory_space<semaphore_mem>>) src(%dma_wait3A_57 : memref<10112x128xf32, #tpu.memory_space<hbm>>) dst(%arg9 : memref<128x128xf32, #tpu.memory_space<vmem>>)
      "tpu.region"() ({
        %run_scoped3A = tpu.sem_alloc : memref<!tpu.dma_semaphore, #tpu.memory_space<semaphore_mem>>
        %dma_start3A_77 = arith.constant 0 : i32
        %dma_start3A_78 = tpu.memref_slice %arg8[%add3A_52, %dma_start3A_77] : memref<40x128xi32, #tpu.memory_space<vmem>> -> memref<1x128xi32, #tpu.memory_space<vmem>>
        %dma_start3A_79 = tpu.memref_squeeze %dma_start3A_78 : memref<1x128xi32, #tpu.memory_space<vmem>> -> memref<128xi32, #tpu.memory_space<vmem>>
        %dma_start3A_80 = arith.constant 0 : i32
        %dma_start3A_81 = arith.constant 0 : i32
        %dma_start3A_82 = tpu.memref_slice %arg11[%dma_start3A_80, %dma_start3A_81] : memref<10112x128xf32, #tpu.memory_space<vmem_shared>> -> memref<10112x128xf32, #tpu.memory_space<vmem_shared>>
        tpu.enqueue_indirect_dma source(%arg9 : memref<128x128xf32, #tpu.memory_space<vmem>>) target(%dma_start3A_82 : memref<10112x128xf32, #tpu.memory_space<vmem_shared>>) offsets(%dma_start3A_79 : memref<128xi32, #tpu.memory_space<vmem>>) semaphore(%run_scoped3A : memref<!tpu.dma_semaphore, #tpu.memory_space<semaphore_mem>>) {add = true}
        %dma_wait3A_83 = arith.constant 0 : i32
        %dma_wait3A_84 = tpu.memref_slice %arg8[%add3A_52, %dma_wait3A_83] : memref<40x128xi32, #tpu.memory_space<vmem>> -> memref<1x128xi32, #tpu.memory_space<vmem>>
        %dma_wait3A_85 = tpu.memref_squeeze %dma_wait3A_84 : memref<1x128xi32, #tpu.memory_space<vmem>> -> memref<128xi32, #tpu.memory_space<vmem>>
        %dma_wait3A_86 = arith.constant 0 : i32
        %dma_wait3A_87 = arith.constant 0 : i32
        %dma_wait3A_88 = tpu.memref_slice %arg11[%dma_wait3A_86, %dma_wait3A_87] : memref<10112x128xf32, #tpu.memory_space<vmem_shared>> -> memref<10112x128xf32, #tpu.memory_space<vmem_shared>>
        tpu.wait_indirect_dma semaphore(%run_scoped3A : memref<!tpu.dma_semaphore, #tpu.memory_space<semaphore_mem>>) src(%arg9 : memref<128x128xf32, #tpu.memory_space<vmem>>) dst(%dma_wait3A_88 : memref<10112x128xf32, #tpu.memory_space<vmem_shared>>)
        tpu.yield
      }) : () -> ()
      %add3A_58 = arith.constant 2 : i32
      %add3A_59 = arith.addi %add3A_52, %add3A_58 : i32
      %lt3A = arith.constant 40 : i32
      %lt3A_60 = arith.cmpi slt, %add3A_59, %lt3A : i32
      %convert_element_type3A = arith.extui %lt3A_60 : i1 to i32
      %cond3A = arith.constant 0 : i32
      %cond3A_61 = arith.cmpi ne, %convert_element_type3A, %cond3A : i32
      scf.if %cond3A_61 {
        %dma_start3A_77 = arith.constant 0 : i32
        %dma_start3A_78 = tpu.memref_slice %arg7[%add3A_59, %dma_start3A_77] : memref<40x128xi32, #tpu.memory_space<vmem>> -> memref<1x128xi32, #tpu.memory_space<vmem>>
        %dma_start3A_79 = tpu.memref_squeeze %dma_start3A_78 : memref<1x128xi32, #tpu.memory_space<vmem>> -> memref<128xi32, #tpu.memory_space<vmem>>
        %dma_start3A_80 = arith.constant 0 : i32
        %dma_start3A_81 = arith.constant 0 : i32
        %dma_start3A_82 = tpu.memref_slice %arg2[%dma_start3A_80, %dma_start3A_81] : memref<10112x128xf32, #tpu.memory_space<hbm>> -> memref<10112x128xf32, #tpu.memory_space<hbm>>
        tpu.enqueue_indirect_dma source(%dma_start3A_82 : memref<10112x128xf32, #tpu.memory_space<hbm>>) target(%arg9 : memref<128x128xf32, #tpu.memory_space<vmem>>) offsets(%dma_start3A_79 : memref<128xi32, #tpu.memory_space<vmem>>) semaphore(%arg12 : memref<!tpu.dma_semaphore, #tpu.memory_space<semaphore_mem>>)
      } else {
      }
      %add3A_62 = arith.constant 1 : i32
      %add3A_63 = arith.addi %add3A_50, %add3A_62 : i32
      %dma_wait3A_64 = arith.constant 0 : i32
      %dma_wait3A_65 = tpu.memref_slice %arg7[%add3A_63, %dma_wait3A_64] : memref<40x128xi32, #tpu.memory_space<vmem>> -> memref<1x128xi32, #tpu.memory_space<vmem>>
      %dma_wait3A_66 = tpu.memref_squeeze %dma_wait3A_65 : memref<1x128xi32, #tpu.memory_space<vmem>> -> memref<128xi32, #tpu.memory_space<vmem>>
      %dma_wait3A_67 = arith.constant 0 : i32
      %dma_wait3A_68 = arith.constant 0 : i32
      %dma_wait3A_69 = tpu.memref_slice %arg2[%dma_wait3A_67, %dma_wait3A_68] : memref<10112x128xf32, #tpu.memory_space<hbm>> -> memref<10112x128xf32, #tpu.memory_space<hbm>>
      tpu.wait_indirect_dma semaphore(%arg13 : memref<!tpu.dma_semaphore, #tpu.memory_space<semaphore_mem>>) src(%dma_wait3A_69 : memref<10112x128xf32, #tpu.memory_space<hbm>>) dst(%arg10 : memref<128x128xf32, #tpu.memory_space<vmem>>)
      "tpu.region"() ({
        %run_scoped3A = tpu.sem_alloc : memref<!tpu.dma_semaphore, #tpu.memory_space<semaphore_mem>>
        %dma_start3A_77 = arith.constant 0 : i32
        %dma_start3A_78 = tpu.memref_slice %arg8[%add3A_63, %dma_start3A_77] : memref<40x128xi32, #tpu.memory_space<vmem>> -> memref<1x128xi32, #tpu.memory_space<vmem>>
        %dma_start3A_79 = tpu.memref_squeeze %dma_start3A_78 : memref<1x128xi32, #tpu.memory_space<vmem>> -> memref<128xi32, #tpu.memory_space<vmem>>
        %dma_start3A_80 = arith.constant 0 : i32
        %dma_start3A_81 = arith.constant 0 : i32
        %dma_start3A_82 = tpu.memref_slice %arg11[%dma_start3A_80, %dma_start3A_81] : memref<10112x128xf32, #tpu.memory_space<vmem_shared>> -> memref<10112x128xf32, #tpu.memory_space<vmem_shared>>
        tpu.enqueue_indirect_dma source(%arg10 : memref<128x128xf32, #tpu.memory_space<vmem>>) target(%dma_start3A_82 : memref<10112x128xf32, #tpu.memory_space<vmem_shared>>) offsets(%dma_start3A_79 : memref<128xi32, #tpu.memory_space<vmem>>) semaphore(%run_scoped3A : memref<!tpu.dma_semaphore, #tpu.memory_space<semaphore_mem>>) {add = true}
        %dma_wait3A_83 = arith.constant 0 : i32
        %dma_wait3A_84 = tpu.memref_slice %arg8[%add3A_63, %dma_wait3A_83] : memref<40x128xi32, #tpu.memory_space<vmem>> -> memref<1x128xi32, #tpu.memory_space<vmem>>
        %dma_wait3A_85 = tpu.memref_squeeze %dma_wait3A_84 : memref<1x128xi32, #tpu.memory_space<vmem>> -> memref<128xi32, #tpu.memory_space<vmem>>
        %dma_wait3A_86 = arith.constant 0 : i32
        %dma_wait3A_87 = arith.constant 0 : i32
        %dma_wait3A_88 = tpu.memref_slice %arg11[%dma_wait3A_86, %dma_wait3A_87] : memref<10112x128xf32, #tpu.memory_space<vmem_shared>> -> memref<10112x128xf32, #tpu.memory_space<vmem_shared>>
        tpu.wait_indirect_dma semaphore(%run_scoped3A : memref<!tpu.dma_semaphore, #tpu.memory_space<semaphore_mem>>) src(%arg10 : memref<128x128xf32, #tpu.memory_space<vmem>>) dst(%dma_wait3A_88 : memref<10112x128xf32, #tpu.memory_space<vmem_shared>>)
        tpu.yield
      }) : () -> ()
      %add3A_70 = arith.constant 2 : i32
      %add3A_71 = arith.addi %add3A_63, %add3A_70 : i32
      %lt3A_72 = arith.constant 40 : i32
      %lt3A_73 = arith.cmpi slt, %add3A_71, %lt3A_72 : i32
      %convert_element_type3A_74 = arith.extui %lt3A_73 : i1 to i32
      %cond3A_75 = arith.constant 0 : i32
      %cond3A_76 = arith.cmpi ne, %convert_element_type3A_74, %cond3A_75 : i32
      scf.if %cond3A_76 {
        %dma_start3A_77 = arith.constant 0 : i32
        %dma_start3A_78 = tpu.memref_slice %arg7[%add3A_71, %dma_start3A_77] : memref<40x128xi32, #tpu.memory_space<vmem>> -> memref<1x128xi32, #tpu.memory_space<vmem>>
        %dma_start3A_79 = tpu.memref_squeeze %dma_start3A_78 : memref<1x128xi32, #tpu.memory_space<vmem>> -> memref<128xi32, #tpu.memory_space<vmem>>
        %dma_start3A_80 = arith.constant 0 : i32
        %dma_start3A_81 = arith.constant 0 : i32
        %dma_start3A_82 = tpu.memref_slice %arg2[%dma_start3A_80, %dma_start3A_81] : memref<10112x128xf32, #tpu.memory_space<hbm>> -> memref<10112x128xf32, #tpu.memory_space<hbm>>
        tpu.enqueue_indirect_dma source(%dma_start3A_82 : memref<10112x128xf32, #tpu.memory_space<hbm>>) target(%arg10 : memref<128x128xf32, #tpu.memory_space<vmem>>) offsets(%dma_start3A_79 : memref<128xi32, #tpu.memory_space<vmem>>) semaphore(%arg13 : memref<!tpu.dma_semaphore, #tpu.memory_space<semaphore_mem>>)
      } else {
      }
    }
    %scan3A_23 = arith.constant 20 : i32
    %add3A_24 = arith.constant 40 : i32
    %add3A_25 = arith.addi %mul3A_4, %add3A_24 : i32
    "tpu.region"() ({
      %run_scoped3A = tpu.sem_alloc : memref<!tpu.dma_semaphore, #tpu.memory_space<semaphore_mem>>
      %dma_start3A_46 = arith.constant 0 : i32
      %dma_start3A_47 = arith.constant 0 : i32
      %dma_start3A_48 = tpu.memref_slice %arg7[%dma_start3A_46, %dma_start3A_47] : memref<40x128xi32, #tpu.memory_space<vmem>> -> memref<40x128xi32, #tpu.memory_space<vmem>>
      %dma_start3A_49 = arith.constant 0 : i32
      %dma_start3A_50 = tpu.memref_slice %arg3[%add3A_25, %dma_start3A_49] : memref<2560x128xi32, #tpu.memory_space<hbm>> -> memref<40x128xi32, #tpu.memory_space<hbm>>
      %dma_start3A_51 = arith.constant 0 : i32
      %dma_start3A_52 = arith.constant 0 : i32
      %dma_start3A_53 = tpu.memref_slice %arg7[%dma_start3A_51, %dma_start3A_52] : memref<40x128xi32, #tpu.memory_space<vmem>> -> memref<40x128xi32, #tpu.memory_space<vmem>>
      %dma_start3A_54 = arith.constant 0 : i32
      %dma_start3A_55 = tpu.memref_slice %arg3[%add3A_25, %dma_start3A_54] : memref<2560x128xi32, #tpu.memory_space<hbm>> -> memref<40x128xi32, #tpu.memory_space<hbm>>
      tpu.enqueue_dma source(%dma_start3A_55 : memref<40x128xi32, #tpu.memory_space<hbm>>) target(%dma_start3A_53 : memref<40x128xi32, #tpu.memory_space<vmem>>) target_semaphore(%run_scoped3A : memref<!tpu.dma_semaphore, #tpu.memory_space<semaphore_mem>>)
      %dma_wait3A = arith.constant 0 : i32
      %dma_wait3A_56 = arith.constant 0 : i32
      %dma_wait3A_57 = tpu.memref_slice %arg7[%dma_wait3A, %dma_wait3A_56] : memref<40x128xi32, #tpu.memory_space<vmem>> -> memref<40x128xi32, #tpu.memory_space<vmem>>
      %dma_wait3A_58 = arith.constant 0 : i32
      %dma_wait3A_59 = tpu.memref_slice %arg3[%add3A_25, %dma_wait3A_58] : memref<2560x128xi32, #tpu.memory_space<hbm>> -> memref<40x128xi32, #tpu.memory_space<hbm>>
      %dma_wait3A_60 = arith.constant 0 : i32
      %dma_wait3A_61 = arith.constant 0 : i32
      %dma_wait3A_62 = tpu.memref_slice %arg7[%dma_wait3A_60, %dma_wait3A_61] : memref<40x128xi32, #tpu.memory_space<vmem>> -> memref<40x128xi32, #tpu.memory_space<vmem>>
      %dma_wait3A_63 = arith.constant 0 : i32
      %dma_wait3A_64 = tpu.memref_slice %arg3[%add3A_25, %dma_wait3A_63] : memref<2560x128xi32, #tpu.memory_space<hbm>> -> memref<40x128xi32, #tpu.memory_space<hbm>>
      tpu.wait_dma2 semaphore(%run_scoped3A : memref<!tpu.dma_semaphore, #tpu.memory_space<semaphore_mem>>) src(%dma_wait3A_64 : memref<40x128xi32, #tpu.memory_space<hbm>>) dst(%dma_wait3A_62 : memref<40x128xi32, #tpu.memory_space<vmem>>)
      tpu.yield
    }) : () -> ()
    "tpu.region"() ({
      %run_scoped3A = tpu.sem_alloc : memref<!tpu.dma_semaphore, #tpu.memory_space<semaphore_mem>>
      %dma_start3A_46 = arith.constant 0 : i32
      %dma_start3A_47 = arith.constant 0 : i32
      %dma_start3A_48 = tpu.memref_slice %arg8[%dma_start3A_46, %dma_start3A_47] : memref<40x128xi32, #tpu.memory_space<vmem>> -> memref<40x128xi32, #tpu.memory_space<vmem>>
      %dma_start3A_49 = arith.constant 0 : i32
      %dma_start3A_50 = tpu.memref_slice %arg4[%add3A_25, %dma_start3A_49] : memref<2560x128xi32, #tpu.memory_space<hbm>> -> memref<40x128xi32, #tpu.memory_space<hbm>>
      %dma_start3A_51 = arith.constant 0 : i32
      %dma_start3A_52 = arith.constant 0 : i32
      %dma_start3A_53 = tpu.memref_slice %arg8[%dma_start3A_51, %dma_start3A_52] : memref<40x128xi32, #tpu.memory_space<vmem>> -> memref<40x128xi32, #tpu.memory_space<vmem>>
      %dma_start3A_54 = arith.constant 0 : i32
      %dma_start3A_55 = tpu.memref_slice %arg4[%add3A_25, %dma_start3A_54] : memref<2560x128xi32, #tpu.memory_space<hbm>> -> memref<40x128xi32, #tpu.memory_space<hbm>>
      tpu.enqueue_dma source(%dma_start3A_55 : memref<40x128xi32, #tpu.memory_space<hbm>>) target(%dma_start3A_53 : memref<40x128xi32, #tpu.memory_space<vmem>>) target_semaphore(%run_scoped3A : memref<!tpu.dma_semaphore, #tpu.memory_space<semaphore_mem>>)
      %dma_wait3A = arith.constant 0 : i32
      %dma_wait3A_56 = arith.constant 0 : i32
      %dma_wait3A_57 = tpu.memref_slice %arg8[%dma_wait3A, %dma_wait3A_56] : memref<40x128xi32, #tpu.memory_space<vmem>> -> memref<40x128xi32, #tpu.memory_space<vmem>>
      %dma_wait3A_58 = arith.constant 0 : i32
      %dma_wait3A_59 = tpu.memref_slice %arg4[%add3A_25, %dma_wait3A_58] : memref<2560x128xi32, #tpu.memory_space<hbm>> -> memref<40x128xi32, #tpu.memory_space<hbm>>
      %dma_wait3A_60 = arith.constant 0 : i32
      %dma_wait3A_61 = arith.constant 0 : i32
      %dma_wait3A_62 = tpu.memref_slice %arg8[%dma_wait3A_60, %dma_wait3A_61] : memref<40x128xi32, #tpu.memory_space<vmem>> -> memref<40x128xi32, #tpu.memory_space<vmem>>
      %dma_wait3A_63 = arith.constant 0 : i32
      %dma_wait3A_64 = tpu.memref_slice %arg4[%add3A_25, %dma_wait3A_63] : memref<2560x128xi32, #tpu.memory_space<hbm>> -> memref<40x128xi32, #tpu.memory_space<hbm>>
      tpu.wait_dma2 semaphore(%run_scoped3A : memref<!tpu.dma_semaphore, #tpu.memory_space<semaphore_mem>>) src(%dma_wait3A_64 : memref<40x128xi32, #tpu.memory_space<hbm>>) dst(%dma_wait3A_62 : memref<40x128xi32, #tpu.memory_space<vmem>>)
      tpu.yield
    }) : () -> ()
    %dma_start3A_26 = arith.constant 0 : i32
    %dma_start3A_27 = arith.constant 0 : i32
    %dma_start3A_28 = tpu.memref_slice %arg7[%dma_start3A_26, %dma_start3A_27] : memref<40x128xi32, #tpu.memory_space<vmem>> -> memref<1x128xi32, #tpu.memory_space<vmem>>
    %dma_start3A_29 = tpu.memref_squeeze %dma_start3A_28 : memref<1x128xi32, #tpu.memory_space<vmem>> -> memref<128xi32, #tpu.memory_space<vmem>>
    %dma_start3A_30 = arith.constant 0 : i32
    %dma_start3A_31 = arith.constant 0 : i32
    %dma_start3A_32 = tpu.memref_slice %arg2[%dma_start3A_30, %dma_start3A_31] : memref<10112x128xf32, #tpu.memory_space<hbm>> -> memref<10112x128xf32, #tpu.memory_space<hbm>>
    tpu.enqueue_indirect_dma source(%dma_start3A_32 : memref<10112x128xf32, #tpu.memory_space<hbm>>) target(%arg9 : memref<128x128xf32, #tpu.memory_space<vmem>>) offsets(%dma_start3A_29 : memref<128xi32, #tpu.memory_space<vmem>>) semaphore(%arg12 : memref<!tpu.dma_semaphore, #tpu.memory_space<semaphore_mem>>)
    %dma_start3A_33 = arith.constant 1 : i32
    %dma_start3A_34 = arith.constant 0 : i32
    %dma_start3A_35 = tpu.memref_slice %arg7[%dma_start3A_33, %dma_start3A_34] : memref<40x128xi32, #tpu.memory_space<vmem>> -> memref<1x128xi32, #tpu.memory_space<vmem>>
    %dma_start3A_36 = tpu.memref_squeeze %dma_start3A_35 : memref<1x128xi32, #tpu.memory_space<vmem>> -> memref<128xi32, #tpu.memory_space<vmem>>
    %dma_start3A_37 = arith.constant 0 : i32
    %dma_start3A_38 = arith.constant 0 : i32
    %dma_start3A_39 = tpu.memref_slice %arg2[%dma_start3A_37, %dma_start3A_38] : memref<10112x128xf32, #tpu.memory_space<hbm>> -> memref<10112x128xf32, #tpu.memory_space<hbm>>
    tpu.enqueue_indirect_dma source(%dma_start3A_39 : memref<10112x128xf32, #tpu.memory_space<hbm>>) target(%arg10 : memref<128x128xf32, #tpu.memory_space<vmem>>) offsets(%dma_start3A_36 : memref<128xi32, #tpu.memory_space<vmem>>) semaphore(%arg13 : memref<!tpu.dma_semaphore, #tpu.memory_space<semaphore_mem>>)
    %scan3A_40 = arith.constant 0 : i32
    %scan3A_41 = arith.constant 20 : i32
    %scan3A_42 = arith.addi %scan3A_40, %scan3A_41 : i32
    %scan3A_43 = arith.constant 1 : i32
    scf.for %scan3A_46 = %scan3A_40 to %scan3A_42 step %scan3A_43  : i32 {
      %mul3A_47 = arith.constant 2 : i32
      %mul3A_48 = arith.muli %scan3A_46, %mul3A_47 : i32
      %add3A_49 = arith.constant 0 : i32
      %add3A_50 = arith.addi %add3A_49, %mul3A_48 : i32
      %add3A_51 = arith.constant 0 : i32
      %add3A_52 = arith.addi %add3A_50, %add3A_51 : i32
      %dma_wait3A = arith.constant 0 : i32
      %dma_wait3A_53 = tpu.memref_slice %arg7[%add3A_52, %dma_wait3A] : memref<40x128xi32, #tpu.memory_space<vmem>> -> memref<1x128xi32, #tpu.memory_space<vmem>>
      %dma_wait3A_54 = tpu.memref_squeeze %dma_wait3A_53 : memref<1x128xi32, #tpu.memory_space<vmem>> -> memref<128xi32, #tpu.memory_space<vmem>>
      %dma_wait3A_55 = arith.constant 0 : i32
      %dma_wait3A_56 = arith.constant 0 : i32
      %dma_wait3A_57 = tpu.memref_slice %arg2[%dma_wait3A_55, %dma_wait3A_56] : memref<10112x128xf32, #tpu.memory_space<hbm>> -> memref<10112x128xf32, #tpu.memory_space<hbm>>
      tpu.wait_indirect_dma semaphore(%arg12 : memref<!tpu.dma_semaphore, #tpu.memory_space<semaphore_mem>>) src(%dma_wait3A_57 : memref<10112x128xf32, #tpu.memory_space<hbm>>) dst(%arg9 : memref<128x128xf32, #tpu.memory_space<vmem>>)
      "tpu.region"() ({
        %run_scoped3A = tpu.sem_alloc : memref<!tpu.dma_semaphore, #tpu.memory_space<semaphore_mem>>
        %dma_start3A_77 = arith.constant 0 : i32
        %dma_start3A_78 = tpu.memref_slice %arg8[%add3A_52, %dma_start3A_77] : memref<40x128xi32, #tpu.memory_space<vmem>> -> memref<1x128xi32, #tpu.memory_space<vmem>>
        %dma_start3A_79 = tpu.memref_squeeze %dma_start3A_78 : memref<1x128xi32, #tpu.memory_space<vmem>> -> memref<128xi32, #tpu.memory_space<vmem>>
        %dma_start3A_80 = arith.constant 0 : i32
        %dma_start3A_81 = arith.constant 0 : i32
        %dma_start3A_82 = tpu.memref_slice %arg11[%dma_start3A_80, %dma_start3A_81] : memref<10112x128xf32, #tpu.memory_space<vmem_shared>> -> memref<10112x128xf32, #tpu.memory_space<vmem_shared>>
        tpu.enqueue_indirect_dma source(%arg9 : memref<128x128xf32, #tpu.memory_space<vmem>>) target(%dma_start3A_82 : memref<10112x128xf32, #tpu.memory_space<vmem_shared>>) offsets(%dma_start3A_79 : memref<128xi32, #tpu.memory_space<vmem>>) semaphore(%run_scoped3A : memref<!tpu.dma_semaphore, #tpu.memory_space<semaphore_mem>>) {add = true}
        %dma_wait3A_83 = arith.constant 0 : i32
        %dma_wait3A_84 = tpu.memref_slice %arg8[%add3A_52, %dma_wait3A_83] : memref<40x128xi32, #tpu.memory_space<vmem>> -> memref<1x128xi32, #tpu.memory_space<vmem>>
        %dma_wait3A_85 = tpu.memref_squeeze %dma_wait3A_84 : memref<1x128xi32, #tpu.memory_space<vmem>> -> memref<128xi32, #tpu.memory_space<vmem>>
        %dma_wait3A_86 = arith.constant 0 : i32
        %dma_wait3A_87 = arith.constant 0 : i32
        %dma_wait3A_88 = tpu.memref_slice %arg11[%dma_wait3A_86, %dma_wait3A_87] : memref<10112x128xf32, #tpu.memory_space<vmem_shared>> -> memref<10112x128xf32, #tpu.memory_space<vmem_shared>>
        tpu.wait_indirect_dma semaphore(%run_scoped3A : memref<!tpu.dma_semaphore, #tpu.memory_space<semaphore_mem>>) src(%arg9 : memref<128x128xf32, #tpu.memory_space<vmem>>) dst(%dma_wait3A_88 : memref<10112x128xf32, #tpu.memory_space<vmem_shared>>)
        tpu.yield
      }) : () -> ()
      %add3A_58 = arith.constant 2 : i32
      %add3A_59 = arith.addi %add3A_52, %add3A_58 : i32
      %lt3A = arith.constant 40 : i32
      %lt3A_60 = arith.cmpi slt, %add3A_59, %lt3A : i32
      %convert_element_type3A = arith.extui %lt3A_60 : i1 to i32
      %cond3A = arith.constant 0 : i32
      %cond3A_61 = arith.cmpi ne, %convert_element_type3A, %cond3A : i32
      scf.if %cond3A_61 {
        %dma_start3A_77 = arith.constant 0 : i32
        %dma_start3A_78 = tpu.memref_slice %arg7[%add3A_59, %dma_start3A_77] : memref<40x128xi32, #tpu.memory_space<vmem>> -> memref<1x128xi32, #tpu.memory_space<vmem>>
        %dma_start3A_79 = tpu.memref_squeeze %dma_start3A_78 : memref<1x128xi32, #tpu.memory_space<vmem>> -> memref<128xi32, #tpu.memory_space<vmem>>
        %dma_start3A_80 = arith.constant 0 : i32
        %dma_start3A_81 = arith.constant 0 : i32
        %dma_start3A_82 = tpu.memref_slice %arg2[%dma_start3A_80, %dma_start3A_81] : memref<10112x128xf32, #tpu.memory_space<hbm>> -> memref<10112x128xf32, #tpu.memory_space<hbm>>
        tpu.enqueue_indirect_dma source(%dma_start3A_82 : memref<10112x128xf32, #tpu.memory_space<hbm>>) target(%arg9 : memref<128x128xf32, #tpu.memory_space<vmem>>) offsets(%dma_start3A_79 : memref<128xi32, #tpu.memory_space<vmem>>) semaphore(%arg12 : memref<!tpu.dma_semaphore, #tpu.memory_space<semaphore_mem>>)
      } else {
      }
      %add3A_62 = arith.constant 1 : i32
      %add3A_63 = arith.addi %add3A_50, %add3A_62 : i32
      %dma_wait3A_64 = arith.constant 0 : i32
      %dma_wait3A_65 = tpu.memref_slice %arg7[%add3A_63, %dma_wait3A_64] : memref<40x128xi32, #tpu.memory_space<vmem>> -> memref<1x128xi32, #tpu.memory_space<vmem>>
      %dma_wait3A_66 = tpu.memref_squeeze %dma_wait3A_65 : memref<1x128xi32, #tpu.memory_space<vmem>> -> memref<128xi32, #tpu.memory_space<vmem>>
      %dma_wait3A_67 = arith.constant 0 : i32
      %dma_wait3A_68 = arith.constant 0 : i32
      %dma_wait3A_69 = tpu.memref_slice %arg2[%dma_wait3A_67, %dma_wait3A_68] : memref<10112x128xf32, #tpu.memory_space<hbm>> -> memref<10112x128xf32, #tpu.memory_space<hbm>>
      tpu.wait_indirect_dma semaphore(%arg13 : memref<!tpu.dma_semaphore, #tpu.memory_space<semaphore_mem>>) src(%dma_wait3A_69 : memref<10112x128xf32, #tpu.memory_space<hbm>>) dst(%arg10 : memref<128x128xf32, #tpu.memory_space<vmem>>)
      "tpu.region"() ({
        %run_scoped3A = tpu.sem_alloc : memref<!tpu.dma_semaphore, #tpu.memory_space<semaphore_mem>>
        %dma_start3A_77 = arith.constant 0 : i32
        %dma_start3A_78 = tpu.memref_slice %arg8[%add3A_63, %dma_start3A_77] : memref<40x128xi32, #tpu.memory_space<vmem>> -> memref<1x128xi32, #tpu.memory_space<vmem>>
        %dma_start3A_79 = tpu.memref_squeeze %dma_start3A_78 : memref<1x128xi32, #tpu.memory_space<vmem>> -> memref<128xi32, #tpu.memory_space<vmem>>
        %dma_start3A_80 = arith.constant 0 : i32
        %dma_start3A_81 = arith.constant 0 : i32
        %dma_start3A_82 = tpu.memref_slice %arg11[%dma_start3A_80, %dma_start3A_81] : memref<10112x128xf32, #tpu.memory_space<vmem_shared>> -> memref<10112x128xf32, #tpu.memory_space<vmem_shared>>
        tpu.enqueue_indirect_dma source(%arg10 : memref<128x128xf32, #tpu.memory_space<vmem>>) target(%dma_start3A_82 : memref<10112x128xf32, #tpu.memory_space<vmem_shared>>) offsets(%dma_start3A_79 : memref<128xi32, #tpu.memory_space<vmem>>) semaphore(%run_scoped3A : memref<!tpu.dma_semaphore, #tpu.memory_space<semaphore_mem>>) {add = true}
        %dma_wait3A_83 = arith.constant 0 : i32
        %dma_wait3A_84 = tpu.memref_slice %arg8[%add3A_63, %dma_wait3A_83] : memref<40x128xi32, #tpu.memory_space<vmem>> -> memref<1x128xi32, #tpu.memory_space<vmem>>
        %dma_wait3A_85 = tpu.memref_squeeze %dma_wait3A_84 : memref<1x128xi32, #tpu.memory_space<vmem>> -> memref<128xi32, #tpu.memory_space<vmem>>
        %dma_wait3A_86 = arith.constant 0 : i32
        %dma_wait3A_87 = arith.constant 0 : i32
        %dma_wait3A_88 = tpu.memref_slice %arg11[%dma_wait3A_86, %dma_wait3A_87] : memref<10112x128xf32, #tpu.memory_space<vmem_shared>> -> memref<10112x128xf32, #tpu.memory_space<vmem_shared>>
        tpu.wait_indirect_dma semaphore(%run_scoped3A : memref<!tpu.dma_semaphore, #tpu.memory_space<semaphore_mem>>) src(%arg10 : memref<128x128xf32, #tpu.memory_space<vmem>>) dst(%dma_wait3A_88 : memref<10112x128xf32, #tpu.memory_space<vmem_shared>>)
        tpu.yield
      }) : () -> ()
      %add3A_70 = arith.constant 2 : i32
      %add3A_71 = arith.addi %add3A_63, %add3A_70 : i32
      %lt3A_72 = arith.constant 40 : i32
      %lt3A_73 = arith.cmpi slt, %add3A_71, %lt3A_72 : i32
      %convert_element_type3A_74 = arith.extui %lt3A_73 : i1 to i32
      %cond3A_75 = arith.constant 0 : i32
      %cond3A_76 = arith.cmpi ne, %convert_element_type3A_74, %cond3A_75 : i32
      scf.if %cond3A_76 {
        %dma_start3A_77 = arith.constant 0 : i32
        %dma_start3A_78 = tpu.memref_slice %arg7[%add3A_71, %dma_start3A_77] : memref<40x128xi32, #tpu.memory_space<vmem>> -> memref<1x128xi32, #tpu.memory_space<vmem>>
        %dma_start3A_79 = tpu.memref_squeeze %dma_start3A_78 : memref<1x128xi32, #tpu.memory_space<vmem>> -> memref<128xi32, #tpu.memory_space<vmem>>
        %dma_start3A_80 = arith.constant 0 : i32
        %dma_start3A_81 = arith.constant 0 : i32
        %dma_start3A_82 = tpu.memref_slice %arg2[%dma_start3A_80, %dma_start3A_81] : memref<10112x128xf32, #tpu.memory_space<hbm>> -> memref<10112x128xf32, #tpu.memory_space<hbm>>
        tpu.enqueue_indirect_dma source(%dma_start3A_82 : memref<10112x128xf32, #tpu.memory_space<hbm>>) target(%arg10 : memref<128x128xf32, #tpu.memory_space<vmem>>) offsets(%dma_start3A_79 : memref<128xi32, #tpu.memory_space<vmem>>) semaphore(%arg13 : memref<!tpu.dma_semaphore, #tpu.memory_space<semaphore_mem>>)
      } else {
      }
    }
    %scan3A_44 = arith.constant 20 : i32
    %barrier3A_45 = arith.constant 0 : index
    tpu.barrier barrier_id(%barrier3A_45)
    "tpu.region"() ({
      %run_scoped3A = tpu.sem_alloc : memref<!tpu.dma_semaphore, #tpu.memory_space<semaphore_mem>>
      %dma_start3A_46 = arith.constant 0 : i32
      %dma_start3A_47 = arith.constant 0 : i32
      %dma_start3A_48 = tpu.memref_slice %arg6[%arg0, %dma_start3A_46, %dma_start3A_47] : memref<2x10112x128xf32, #tpu.memory_space<hbm>> -> memref<1x10112x128xf32, #tpu.memory_space<hbm>>
      %dma_start3A_49 = tpu.memref_squeeze %dma_start3A_48 : memref<1x10112x128xf32, #tpu.memory_space<hbm>> -> memref<10112x128xf32, #tpu.memory_space<hbm>>
      %dma_start3A_50 = arith.constant 0 : i32
      %dma_start3A_51 = tpu.memref_slice %dma_start3A_49[%mul3A_0, %dma_start3A_50] : memref<10112x128xf32, #tpu.memory_space<hbm>> -> memref<632x128xf32, #tpu.memory_space<hbm>>
      %dma_start3A_52 = arith.constant 0 : i32
      %dma_start3A_53 = tpu.memref_slice %arg11[%mul3A_0, %dma_start3A_52] : memref<10112x128xf32, #tpu.memory_space<vmem_shared>> -> memref<632x128xf32, #tpu.memory_space<vmem_shared>>
      tpu.enqueue_dma source(%dma_start3A_53 : memref<632x128xf32, #tpu.memory_space<vmem_shared>>) target(%dma_start3A_51 : memref<632x128xf32, #tpu.memory_space<hbm>>) target_semaphore(%run_scoped3A : memref<!tpu.dma_semaphore, #tpu.memory_space<semaphore_mem>>)
      %dma_wait3A = arith.constant 0 : i32
      %dma_wait3A_54 = arith.constant 0 : i32
      %dma_wait3A_55 = tpu.memref_slice %arg6[%arg0, %dma_wait3A, %dma_wait3A_54] : memref<2x10112x128xf32, #tpu.memory_space<hbm>> -> memref<1x10112x128xf32, #tpu.memory_space<hbm>>
      %dma_wait3A_56 = tpu.memref_squeeze %dma_wait3A_55 : memref<1x10112x128xf32, #tpu.memory_space<hbm>> -> memref<10112x128xf32, #tpu.memory_space<hbm>>
      %dma_wait3A_57 = arith.constant 0 : i32
      %dma_wait3A_58 = tpu.memref_slice %dma_wait3A_56[%mul3A_0, %dma_wait3A_57] : memref<10112x128xf32, #tpu.memory_space<hbm>> -> memref<632x128xf32, #tpu.memory_space<hbm>>
      %dma_wait3A_59 = arith.constant 0 : i32
      %dma_wait3A_60 = tpu.memref_slice %arg11[%mul3A_0, %dma_wait3A_59] : memref<10112x128xf32, #tpu.memory_space<vmem_shared>> -> memref<632x128xf32, #tpu.memory_space<vmem_shared>>
      tpu.wait_dma2 semaphore(%run_scoped3A : memref<!tpu.dma_semaphore, #tpu.memory_space<semaphore_mem>>) src(%dma_wait3A_60 : memref<632x128xf32, #tpu.memory_space<vmem_shared>>) dst(%dma_wait3A_58 : memref<632x128xf32, #tpu.memory_space<hbm>>)
      tpu.yield
    }) : () -> ()
    return
  }
}

module attributes {stable_mosaic.version = 14 : i64} {
  func.func @_tc_scale_body(%arg0: memref<10112x128xf32, #tpu.memory_space<vmem>>, %arg1: memref<32x10112xf32, #tpu.memory_space<vmem>>, %arg2: memref<10112x128xf32, #tpu.memory_space<vmem>>) attributes {dimension_semantics = [], scalar_prefetch = 0 : i64, scratch_operands = 0 : i64, tpu.core_type = #tpu.core_type<tc>} {
    %get3A = arith.constant 0 : index
    %get3A_0 = arith.constant 0 : index
    %get3A_1 = vector.load %arg1[%get3A, %get3A_0] : memref<32x10112xf32, #tpu.memory_space<vmem>>, vector<32x10112xf32>
    %reduce_sum3A = arith.constant dense<0.000000e+00> : vector<10112xf32>
    %reduce_sum3A_2 = vector.multi_reduction <add>, %get3A_1, %reduce_sum3A [0] : vector<32x10112xf32> to vector<10112xf32>
    %slice3A = vector.extract_strided_slice %reduce_sum3A_2 {offsets = [0], sizes = [10000], strides = [1]} : vector<10112xf32> to vector<10000xf32>
    %broadcast_in_dim3A = vector.shape_cast %slice3A : vector<10000xf32> to vector<10000x1xf32>
    %add3A = arith.constant 1.000000e+00 : f32
    %add3A_3 = vector.broadcast %add3A : f32 to vector<10000x1xf32>
    %add3A_4 = arith.addf %broadcast_in_dim3A, %add3A_3 : vector<10000x1xf32>
    %rsqrt3A = math.rsqrt %add3A_4 : vector<10000x1xf32>
    %get3A_5 = arith.constant 0 : index
    %get3A_6 = arith.constant 0 : index
    %get3A_7 = vector.load %arg0[%get3A_5, %get3A_6] : memref<10112x128xf32, #tpu.memory_space<vmem>>, vector<10000x128xf32>
    %mul3A = vector.broadcast %rsqrt3A : vector<10000x1xf32> to vector<10000x128xf32>
    %mul3A_8 = arith.mulf %get3A_7, %mul3A : vector<10000x128xf32>
    %swap3A = arith.constant 0 : index
    %swap3A_9 = arith.constant 0 : index
    %swap3A_10 = vector.load %arg2[%swap3A, %swap3A_9] : memref<10112x128xf32, #tpu.memory_space<vmem>>, vector<10000x128xf32>
    tpu.vector_store %arg2[%swap3A, %swap3A_9], %mul3A_8 {strides = array<i32>} : memref<10112x128xf32, #tpu.memory_space<vmem>>, vector<10000x128xf32>,
    %broadcast_in_dim3A_11 = arith.constant 0.000000e+00 : f32
    %broadcast_in_dim3A_12 = vector.broadcast %broadcast_in_dim3A_11 : f32 to vector<112x128xf32>
    %swap3A_13 = arith.constant 10000 : index
    %swap3A_14 = arith.constant 0 : index
    %swap3A_15 = vector.load %arg2[%swap3A_13, %swap3A_14] : memref<10112x128xf32, #tpu.memory_space<vmem>>, vector<112x128xf32>
    tpu.vector_store %arg2[%swap3A_13, %swap3A_14], %broadcast_in_dim3A_12 {strides = array<i32>} : memref<10112x128xf32, #tpu.memory_space<vmem>>, vector<112x128xf32>,
    return
  }
}

module attributes {stable_mosaic.version = 14 : i64} {
  func.func @_tc_mm_body(%arg0: memref<10000x128xf32, #tpu.memory_space<vmem>>, %arg1: memref<128x128xf32, #tpu.memory_space<vmem>>, %arg2: memref<10112x128xf32, #tpu.memory_space<vmem>>) attributes {dimension_semantics = [], scalar_prefetch = 0 : i64, scratch_operands = 0 : i64, tpu.core_type = #tpu.core_type<tc>} {
    %get3A = arith.constant 0 : index
    %get3A_0 = arith.constant 0 : index
    %get3A_1 = vector.load %arg0[%get3A, %get3A_0] : memref<10000x128xf32, #tpu.memory_space<vmem>>, vector<10000x128xf32>
    %get3A_2 = arith.constant 0 : index
    %get3A_3 = arith.constant 0 : index
    %get3A_4 = vector.load %arg1[%get3A_2, %get3A_3] : memref<128x128xf32, #tpu.memory_space<vmem>>, vector<128x128xf32>
    %dot_general3A = arith.constant dense<0.000000e+00> : vector<10000x128xf32>
    %dot_general3A_5 = tpu.matmul %get3A_1, %get3A_4, %dot_general3A {dimension_numbers = #tpu.dot_dimension_numbers<[1], [1], [0], [0], [0, 0, 1, 0], [], []>, transpose_lhs_hint = false} : vector<10000x128xf32>, vector<128x128xf32>, vector<10000x128xf32> -> vector<10000x128xf32>
    %swap3A = arith.constant 0 : index
    %swap3A_6 = arith.constant 0 : index
    %swap3A_7 = vector.load %arg2[%swap3A, %swap3A_6] : memref<10112x128xf32, #tpu.memory_space<vmem>>, vector<10000x128xf32>
    tpu.vector_store %arg2[%swap3A, %swap3A_6], %dot_general3A_5 {strides = array<i32>} : memref<10112x128xf32, #tpu.memory_space<vmem>>, vector<10000x128xf32>,
    %broadcast_in_dim3A = arith.constant 0.000000e+00 : f32
    %broadcast_in_dim3A_8 = vector.broadcast %broadcast_in_dim3A : f32 to vector<112x128xf32>
    %swap3A_9 = arith.constant 10000 : index
    %swap3A_10 = arith.constant 0 : index
    %swap3A_11 = vector.load %arg2[%swap3A_9, %swap3A_10] : memref<10112x128xf32, #tpu.memory_space<vmem>>, vector<112x128xf32>
    tpu.vector_store %arg2[%swap3A_9, %swap3A_10], %broadcast_in_dim3A_8 {strides = array<i32>} : memref<10112x128xf32, #tpu.memory_space<vmem>>, vector<112x128xf32>,
    return
  }
}

module attributes {stable_mosaic.version = 14 : i64} {
  func.func @_tc2_body(%arg0: memref<2x10112x128xf32, #tpu.memory_space<vmem>>, %arg1: memref<10112x128xf32, #tpu.memory_space<vmem>>, %arg2: memref<10000x128xf32, #tpu.memory_space<vmem>>, %arg3: memref<32x10112xf32, #tpu.memory_space<vmem>>, %arg4: memref<128xf32, #tpu.memory_space<vmem>>, %arg5: memref<128xf32, #tpu.memory_space<vmem>>, %arg6: memref<128xf32, #tpu.memory_space<vmem>>, %arg7: memref<128x128xf32, #tpu.memory_space<vmem>>, %arg8: memref<10000x128xf32, #tpu.memory_space<vmem>>, %arg9: memref<10112x128xf32, #tpu.memory_space<vmem>>) attributes {dimension_semantics = [], scalar_prefetch = 0 : i64, scratch_operands = 0 : i64, tpu.core_type = #tpu.core_type<tc>} {
    %get3A = arith.constant 0 : index
    %get3A_0 = arith.constant 0 : index
    %get3A_1 = arith.constant 0 : index
    %get3A_2 = vector.load %arg0[%get3A, %get3A_0, %get3A_1] : memref<2x10112x128xf32, #tpu.memory_space<vmem>>, vector<2x10112x128xf32>
    %get3A_3 = arith.constant 0 : index
    %get3A_4 = arith.constant 0 : index
    %get3A_5 = vector.load %arg1[%get3A_3, %get3A_4] : memref<10112x128xf32, #tpu.memory_space<vmem>>, vector<10112x128xf32>
    %get3A_6 = arith.constant 0 : index
    %get3A_7 = arith.constant 0 : index
    %get3A_8 = vector.load %arg2[%get3A_6, %get3A_7] : memref<10000x128xf32, #tpu.memory_space<vmem>>, vector<10000x128xf32>
    %get3A_9 = arith.constant 0 : index
    %get3A_10 = arith.constant 0 : index
    %get3A_11 = vector.load %arg3[%get3A_9, %get3A_10] : memref<32x10112xf32, #tpu.memory_space<vmem>>, vector<32x10112xf32>
    %get3A_12 = arith.constant 0 : index
    %get3A_13 = vector.load %arg4[%get3A_12] : memref<128xf32, #tpu.memory_space<vmem>>, vector<128xf32>
    %get3A_14 = arith.constant 0 : index
    %get3A_15 = vector.load %arg5[%get3A_14] : memref<128xf32, #tpu.memory_space<vmem>>, vector<128xf32>
    %get3A_16 = arith.constant 0 : index
    %get3A_17 = vector.load %arg6[%get3A_16] : memref<128xf32, #tpu.memory_space<vmem>>, vector<128xf32>
    %reduce_sum3A = arith.constant dense<0.000000e+00> : vector<10112xf32>
    %reduce_sum3A_18 = vector.multi_reduction <add>, %get3A_11, %reduce_sum3A [0] : vector<32x10112xf32> to vector<10112xf32>
    %slice3A = vector.extract_strided_slice %reduce_sum3A_18 {offsets = [0], sizes = [10000], strides = [1]} : vector<10112xf32> to vector<10000xf32>
    %broadcast_in_dim3A = vector.shape_cast %slice3A : vector<10000xf32> to vector<10000x1xf32>
    %add3A = arith.constant 1.000000e+00 : f32
    %add3A_19 = vector.broadcast %add3A : f32 to vector<10000x1xf32>
    %add3A_20 = arith.addf %broadcast_in_dim3A, %add3A_19 : vector<10000x1xf32>
    %rsqrt3A = math.rsqrt %add3A_20 : vector<10000x1xf32>
    %slice3A_21 = vector.extract_strided_slice %get3A_2 {offsets = [0, 0, 0], sizes = [1, 10000, 128], strides = [1, 1, 1]} : vector<2x10112x128xf32> to vector<1x10000x128xf32>
    %squeeze3A = vector.shape_cast %slice3A_21 : vector<1x10000x128xf32> to vector<10000x128xf32>
    %slice3A_22 = vector.extract_strided_slice %get3A_2 {offsets = [1, 0, 0], sizes = [1, 10000, 128], strides = [1, 1, 1]} : vector<2x10112x128xf32> to vector<1x10000x128xf32>
    %squeeze3A_23 = vector.shape_cast %slice3A_22 : vector<1x10000x128xf32> to vector<10000x128xf32>
    %add3A_24 = arith.addf %squeeze3A, %squeeze3A_23 : vector<10000x128xf32>
    %slice3A_25 = vector.extract_strided_slice %get3A_5 {offsets = [0, 0], sizes = [10000, 128], strides = [1, 1]} : vector<10112x128xf32> to vector<10000x128xf32>
    %add3A_26 = arith.addf %add3A_24, %slice3A_25 : vector<10000x128xf32>
    %mul3A = vector.broadcast %rsqrt3A : vector<10000x1xf32> to vector<10000x128xf32>
    %mul3A_27 = arith.mulf %mul3A, %add3A_26 : vector<10000x128xf32>
    %broadcast_in_dim3A_28 = vector.shape_cast %get3A_13 : vector<128xf32> to vector<1x128xf32>
    %add3A_29 = vector.broadcast %broadcast_in_dim3A_28 : vector<1x128xf32> to vector<10000x128xf32>
    %add3A_30 = arith.addf %mul3A_27, %add3A_29 : vector<10000x128xf32>
    %reduce_sum3A_31 = arith.constant dense<0.000000e+00> : vector<128xf32>
    %reduce_sum3A_32 = vector.multi_reduction <add>, %add3A_30, %reduce_sum3A_31 [0] : vector<10000x128xf32> to vector<128xf32>
    %div3A = arith.constant 1.000000e+04 : f32
    %div3A_33 = vector.broadcast %div3A : f32 to vector<128xf32>
    %div3A_34 = arith.divf %reduce_sum3A_32, %div3A_33 : vector<128xf32>
    %broadcast_in_dim3A_35 = vector.shape_cast %div3A_34 : vector<128xf32> to vector<1x128xf32>
    %sub3A = vector.broadcast %broadcast_in_dim3A_35 : vector<1x128xf32> to vector<10000x128xf32>
    %sub3A_36 = arith.subf %add3A_30, %sub3A : vector<10000x128xf32>
    %integer_pow3A = arith.mulf %sub3A_36, %sub3A_36 : vector<10000x128xf32>
    %reduce_sum3A_37 = arith.constant dense<0.000000e+00> : vector<128xf32>
    %reduce_sum3A_38 = vector.multi_reduction <add>, %integer_pow3A, %reduce_sum3A_37 [0] : vector<10000x128xf32> to vector<128xf32>
    %div3A_39 = arith.constant 1.000000e+04 : f32
    %div3A_40 = vector.broadcast %div3A_39 : f32 to vector<128xf32>
    %div3A_41 = arith.divf %reduce_sum3A_38, %div3A_40 : vector<128xf32>
    %broadcast_in_dim3A_42 = vector.shape_cast %div3A_34 : vector<128xf32> to vector<1x128xf32>
    %sub3A_43 = vector.broadcast %broadcast_in_dim3A_42 : vector<1x128xf32> to vector<10000x128xf32>
    %sub3A_44 = arith.subf %add3A_30, %sub3A_43 : vector<10000x128xf32>
    %broadcast_in_dim3A_45 = vector.shape_cast %div3A_41 : vector<128xf32> to vector<1x128xf32>
    %add3A_46 = arith.constant 9.99999974E-6 : f32
    %add3A_47 = vector.broadcast %add3A_46 : f32 to vector<1x128xf32>
    %add3A_48 = arith.addf %broadcast_in_dim3A_45, %add3A_47 : vector<1x128xf32>
    %rsqrt3A_49 = math.rsqrt %add3A_48 : vector<1x128xf32>
    %mul3A_50 = vector.broadcast %rsqrt3A_49 : vector<1x128xf32> to vector<10000x128xf32>
    %mul3A_51 = arith.mulf %sub3A_44, %mul3A_50 : vector<10000x128xf32>
    %broadcast_in_dim3A_52 = vector.shape_cast %get3A_15 : vector<128xf32> to vector<1x128xf32>
    %mul3A_53 = vector.broadcast %broadcast_in_dim3A_52 : vector<1x128xf32> to vector<10000x128xf32>
    %mul3A_54 = arith.mulf %mul3A_51, %mul3A_53 : vector<10000x128xf32>
    %broadcast_in_dim3A_55 = vector.shape_cast %get3A_17 : vector<128xf32> to vector<1x128xf32>
    %add3A_56 = vector.broadcast %broadcast_in_dim3A_55 : vector<1x128xf32> to vector<10000x128xf32>
    %add3A_57 = arith.addf %mul3A_54, %add3A_56 : vector<10000x128xf32>
    %ge3A = arith.constant 0.000000e+00 : f32
    %ge3A_58 = vector.broadcast %ge3A : f32 to vector<10000x128xf32>
    %ge3A_59 = arith.cmpf oge, %add3A_57, %ge3A_58 : vector<10000x128xf32>
    %mul3A_60 = arith.constant 1.000000e-01 : f32
    %mul3A_61 = vector.broadcast %mul3A_60 : f32 to vector<10000x128xf32>
    %mul3A_62 = arith.mulf %mul3A_61, %add3A_57 : vector<10000x128xf32>
    %select_n3A = arith.select %ge3A_59, %add3A_57, %mul3A_62 : vector<10000x128xi1>, vector<10000x128xf32>
    %add3A_63 = arith.addf %select_n3A, %get3A_8 : vector<10000x128xf32>
    %ge3A_64 = arith.constant 0.000000e+00 : f32
    %ge3A_65 = vector.broadcast %ge3A_64 : f32 to vector<10000x128xf32>
    %ge3A_66 = arith.cmpf oge, %add3A_63, %ge3A_65 : vector<10000x128xf32>
    %mul3A_67 = arith.constant 1.000000e-01 : f32
    %mul3A_68 = vector.broadcast %mul3A_67 : f32 to vector<10000x128xf32>
    %mul3A_69 = arith.mulf %mul3A_68, %add3A_63 : vector<10000x128xf32>
    %select_n3A_70 = arith.select %ge3A_66, %add3A_63, %mul3A_69 : vector<10000x128xi1>, vector<10000x128xf32>
    %swap3A = arith.constant 0 : index
    %swap3A_71 = arith.constant 0 : index
    %swap3A_72 = vector.load %arg8[%swap3A, %swap3A_71] : memref<10000x128xf32, #tpu.memory_space<vmem>>, vector<10000x128xf32>
    tpu.vector_store %arg8[%swap3A, %swap3A_71], %select_n3A_70 {strides = array<i32>} : memref<10000x128xf32, #tpu.memory_space<vmem>>, vector<10000x128xf32>,
    %mul3A_73 = vector.broadcast %rsqrt3A : vector<10000x1xf32> to vector<10000x128xf32>
    %mul3A_74 = arith.mulf %select_n3A_70, %mul3A_73 : vector<10000x128xf32>
    %get3A_75 = arith.constant 0 : index
    %get3A_76 = arith.constant 0 : index
    %get3A_77 = vector.load %arg7[%get3A_75, %get3A_76] : memref<128x128xf32, #tpu.memory_space<vmem>>, vector<128x128xf32>
    %dot_general3A = arith.constant dense<0.000000e+00> : vector<10000x128xf32>
    %dot_general3A_78 = tpu.matmul %mul3A_74, %get3A_77, %dot_general3A {dimension_numbers = #tpu.dot_dimension_numbers<[1], [1], [0], [0], [0, 0, 1, 0], [], []>, transpose_lhs_hint = false} : vector<10000x128xf32>, vector<128x128xf32>, vector<10000x128xf32> -> vector<10000x128xf32>
    %swap3A_79 = arith.constant 0 : index
    %swap3A_80 = arith.constant 0 : index
    %swap3A_81 = vector.load %arg9[%swap3A_79, %swap3A_80] : memref<10112x128xf32, #tpu.memory_space<vmem>>, vector<10000x128xf32>
    tpu.vector_store %arg9[%swap3A_79, %swap3A_80], %dot_general3A_78 {strides = array<i32>} : memref<10112x128xf32, #tpu.memory_space<vmem>>, vector<10000x128xf32>,
    %broadcast_in_dim3A_82 = arith.constant 0.000000e+00 : f32
    %broadcast_in_dim3A_83 = vector.broadcast %broadcast_in_dim3A_82 : f32 to vector<112x128xf32>
    %swap3A_84 = arith.constant 10000 : index
    %swap3A_85 = arith.constant 0 : index
    %swap3A_86 = vector.load %arg9[%swap3A_84, %swap3A_85] : memref<10112x128xf32, #tpu.memory_space<vmem>>, vector<112x128xf32>
    tpu.vector_store %arg9[%swap3A_84, %swap3A_85], %broadcast_in_dim3A_83 {strides = array<i32>} : memref<10112x128xf32, #tpu.memory_space<vmem>>, vector<112x128xf32>,
    return
  }
}

module attributes {stable_mosaic.version = 14 : i64} {
  func.func @_tc3_body(%arg0: memref<2x10112x128xf32, #tpu.memory_space<vmem>>, %arg1: memref<10112x128xf32, #tpu.memory_space<vmem>>, %arg2: memref<10000x128xf32, #tpu.memory_space<vmem>>, %arg3: memref<32x10112xf32, #tpu.memory_space<vmem>>, %arg4: memref<128xf32, #tpu.memory_space<vmem>>, %arg5: memref<128xf32, #tpu.memory_space<vmem>>, %arg6: memref<128xf32, #tpu.memory_space<vmem>>, %arg7: memref<10000x128xf32, #tpu.memory_space<vmem>>) attributes {dimension_semantics = [], scalar_prefetch = 0 : i64, scratch_operands = 0 : i64, tpu.core_type = #tpu.core_type<tc>} {
    %get3A = arith.constant 0 : index
    %get3A_0 = arith.constant 0 : index
    %get3A_1 = arith.constant 0 : index
    %get3A_2 = vector.load %arg0[%get3A, %get3A_0, %get3A_1] : memref<2x10112x128xf32, #tpu.memory_space<vmem>>, vector<2x10112x128xf32>
    %get3A_3 = arith.constant 0 : index
    %get3A_4 = arith.constant 0 : index
    %get3A_5 = vector.load %arg1[%get3A_3, %get3A_4] : memref<10112x128xf32, #tpu.memory_space<vmem>>, vector<10112x128xf32>
    %get3A_6 = arith.constant 0 : index
    %get3A_7 = arith.constant 0 : index
    %get3A_8 = vector.load %arg2[%get3A_6, %get3A_7] : memref<10000x128xf32, #tpu.memory_space<vmem>>, vector<10000x128xf32>
    %get3A_9 = arith.constant 0 : index
    %get3A_10 = arith.constant 0 : index
    %get3A_11 = vector.load %arg3[%get3A_9, %get3A_10] : memref<32x10112xf32, #tpu.memory_space<vmem>>, vector<32x10112xf32>
    %get3A_12 = arith.constant 0 : index
    %get3A_13 = vector.load %arg4[%get3A_12] : memref<128xf32, #tpu.memory_space<vmem>>, vector<128xf32>
    %get3A_14 = arith.constant 0 : index
    %get3A_15 = vector.load %arg5[%get3A_14] : memref<128xf32, #tpu.memory_space<vmem>>, vector<128xf32>
    %get3A_16 = arith.constant 0 : index
    %get3A_17 = vector.load %arg6[%get3A_16] : memref<128xf32, #tpu.memory_space<vmem>>, vector<128xf32>
    %reduce_sum3A = arith.constant dense<0.000000e+00> : vector<10112xf32>
    %reduce_sum3A_18 = vector.multi_reduction <add>, %get3A_11, %reduce_sum3A [0] : vector<32x10112xf32> to vector<10112xf32>
    %slice3A = vector.extract_strided_slice %reduce_sum3A_18 {offsets = [0], sizes = [10000], strides = [1]} : vector<10112xf32> to vector<10000xf32>
    %broadcast_in_dim3A = vector.shape_cast %slice3A : vector<10000xf32> to vector<10000x1xf32>
    %add3A = arith.constant 1.000000e+00 : f32
    %add3A_19 = vector.broadcast %add3A : f32 to vector<10000x1xf32>
    %add3A_20 = arith.addf %broadcast_in_dim3A, %add3A_19 : vector<10000x1xf32>
    %rsqrt3A = math.rsqrt %add3A_20 : vector<10000x1xf32>
    %slice3A_21 = vector.extract_strided_slice %get3A_2 {offsets = [0, 0, 0], sizes = [1, 10000, 128], strides = [1, 1, 1]} : vector<2x10112x128xf32> to vector<1x10000x128xf32>
    %squeeze3A = vector.shape_cast %slice3A_21 : vector<1x10000x128xf32> to vector<10000x128xf32>
    %slice3A_22 = vector.extract_strided_slice %get3A_2 {offsets = [1, 0, 0], sizes = [1, 10000, 128], strides = [1, 1, 1]} : vector<2x10112x128xf32> to vector<1x10000x128xf32>
    %squeeze3A_23 = vector.shape_cast %slice3A_22 : vector<1x10000x128xf32> to vector<10000x128xf32>
    %add3A_24 = arith.addf %squeeze3A, %squeeze3A_23 : vector<10000x128xf32>
    %slice3A_25 = vector.extract_strided_slice %get3A_5 {offsets = [0, 0], sizes = [10000, 128], strides = [1, 1]} : vector<10112x128xf32> to vector<10000x128xf32>
    %add3A_26 = arith.addf %add3A_24, %slice3A_25 : vector<10000x128xf32>
    %mul3A = vector.broadcast %rsqrt3A : vector<10000x1xf32> to vector<10000x128xf32>
    %mul3A_27 = arith.mulf %mul3A, %add3A_26 : vector<10000x128xf32>
    %broadcast_in_dim3A_28 = vector.shape_cast %get3A_13 : vector<128xf32> to vector<1x128xf32>
    %add3A_29 = vector.broadcast %broadcast_in_dim3A_28 : vector<1x128xf32> to vector<10000x128xf32>
    %add3A_30 = arith.addf %mul3A_27, %add3A_29 : vector<10000x128xf32>
    %reduce_sum3A_31 = arith.constant dense<0.000000e+00> : vector<128xf32>
    %reduce_sum3A_32 = vector.multi_reduction <add>, %add3A_30, %reduce_sum3A_31 [0] : vector<10000x128xf32> to vector<128xf32>
    %div3A = arith.constant 1.000000e+04 : f32
    %div3A_33 = vector.broadcast %div3A : f32 to vector<128xf32>
    %div3A_34 = arith.divf %reduce_sum3A_32, %div3A_33 : vector<128xf32>
    %broadcast_in_dim3A_35 = vector.shape_cast %div3A_34 : vector<128xf32> to vector<1x128xf32>
    %sub3A = vector.broadcast %broadcast_in_dim3A_35 : vector<1x128xf32> to vector<10000x128xf32>
    %sub3A_36 = arith.subf %add3A_30, %sub3A : vector<10000x128xf32>
    %integer_pow3A = arith.mulf %sub3A_36, %sub3A_36 : vector<10000x128xf32>
    %reduce_sum3A_37 = arith.constant dense<0.000000e+00> : vector<128xf32>
    %reduce_sum3A_38 = vector.multi_reduction <add>, %integer_pow3A, %reduce_sum3A_37 [0] : vector<10000x128xf32> to vector<128xf32>
    %div3A_39 = arith.constant 1.000000e+04 : f32
    %div3A_40 = vector.broadcast %div3A_39 : f32 to vector<128xf32>
    %div3A_41 = arith.divf %reduce_sum3A_38, %div3A_40 : vector<128xf32>
    %broadcast_in_dim3A_42 = vector.shape_cast %div3A_34 : vector<128xf32> to vector<1x128xf32>
    %sub3A_43 = vector.broadcast %broadcast_in_dim3A_42 : vector<1x128xf32> to vector<10000x128xf32>
    %sub3A_44 = arith.subf %add3A_30, %sub3A_43 : vector<10000x128xf32>
    %broadcast_in_dim3A_45 = vector.shape_cast %div3A_41 : vector<128xf32> to vector<1x128xf32>
    %add3A_46 = arith.constant 9.99999974E-6 : f32
    %add3A_47 = vector.broadcast %add3A_46 : f32 to vector<1x128xf32>
    %add3A_48 = arith.addf %broadcast_in_dim3A_45, %add3A_47 : vector<1x128xf32>
    %rsqrt3A_49 = math.rsqrt %add3A_48 : vector<1x128xf32>
    %mul3A_50 = vector.broadcast %rsqrt3A_49 : vector<1x128xf32> to vector<10000x128xf32>
    %mul3A_51 = arith.mulf %sub3A_44, %mul3A_50 : vector<10000x128xf32>
    %broadcast_in_dim3A_52 = vector.shape_cast %get3A_15 : vector<128xf32> to vector<1x128xf32>
    %mul3A_53 = vector.broadcast %broadcast_in_dim3A_52 : vector<1x128xf32> to vector<10000x128xf32>
    %mul3A_54 = arith.mulf %mul3A_51, %mul3A_53 : vector<10000x128xf32>
    %broadcast_in_dim3A_55 = vector.shape_cast %get3A_17 : vector<128xf32> to vector<1x128xf32>
    %add3A_56 = vector.broadcast %broadcast_in_dim3A_55 : vector<1x128xf32> to vector<10000x128xf32>
    %add3A_57 = arith.addf %mul3A_54, %add3A_56 : vector<10000x128xf32>
    %ge3A = arith.constant 0.000000e+00 : f32
    %ge3A_58 = vector.broadcast %ge3A : f32 to vector<10000x128xf32>
    %ge3A_59 = arith.cmpf oge, %add3A_57, %ge3A_58 : vector<10000x128xf32>
    %mul3A_60 = arith.constant 1.000000e-01 : f32
    %mul3A_61 = vector.broadcast %mul3A_60 : f32 to vector<10000x128xf32>
    %mul3A_62 = arith.mulf %mul3A_61, %add3A_57 : vector<10000x128xf32>
    %select_n3A = arith.select %ge3A_59, %add3A_57, %mul3A_62 : vector<10000x128xi1>, vector<10000x128xf32>
    %add3A_63 = arith.addf %select_n3A, %get3A_8 : vector<10000x128xf32>
    %ge3A_64 = arith.constant 0.000000e+00 : f32
    %ge3A_65 = vector.broadcast %ge3A_64 : f32 to vector<10000x128xf32>
    %ge3A_66 = arith.cmpf oge, %add3A_63, %ge3A_65 : vector<10000x128xf32>
    %mul3A_67 = arith.constant 1.000000e-01 : f32
    %mul3A_68 = vector.broadcast %mul3A_67 : f32 to vector<10000x128xf32>
    %mul3A_69 = arith.mulf %mul3A_68, %add3A_63 : vector<10000x128xf32>
    %select_n3A_70 = arith.select %ge3A_66, %add3A_63, %mul3A_69 : vector<10000x128xi1>, vector<10000x128xf32>
    %mul3A_71 = arith.mulf %select_n3A_70, %select_n3A_70 : vector<10000x128xf32>
    %reduce_sum3A_72 = arith.constant dense<0.000000e+00> : vector<10000xf32>
    %reduce_sum3A_73 = vector.multi_reduction <add>, %mul3A_71, %reduce_sum3A_72 [1] : vector<10000x128xf32> to vector<10000xf32>
    %broadcast_in_dim3A_74 = vector.shape_cast %reduce_sum3A_73 : vector<10000xf32> to vector<10000x1xf32>
    %sqrt3A = math.sqrt %broadcast_in_dim3A_74 : vector<10000x1xf32>
    %max3A = arith.constant 9.99999996E-13 : f32
    %max3A_75 = vector.broadcast %max3A : f32 to vector<10000x1xf32>
    %max3A_76 = arith.maximumf %sqrt3A, %max3A_75 : vector<10000x1xf32>
    %div3A_77 = vector.broadcast %max3A_76 : vector<10000x1xf32> to vector<10000x128xf32>
    %div3A_78 = arith.divf %select_n3A_70, %div3A_77 : vector<10000x128xf32>
    %swap3A = arith.constant 0 : index
    %swap3A_79 = arith.constant 0 : index
    %swap3A_80 = vector.load %arg7[%swap3A, %swap3A_79] : memref<10000x128xf32, #tpu.memory_space<vmem>>, vector<10000x128xf32>
    tpu.vector_store %arg7[%swap3A, %swap3A_79], %div3A_78 {strides = array<i32>} : memref<10000x128xf32, #tpu.memory_space<vmem>>, vector<10000x128xf32>,
    return
  }
}

</mosaic_0001>

<sc_bundles>
// kernel: kernel.12.cloned.1.call-start
scs
__scs_entry_jumppad:
0x0: {  	(pc) =	sbr.rel $0x88, $3  }
0x1: {  	(tag) =	ssettag $0x0;
	lr =	simm.s32 $0x1  }
0x2: {  	[smem:$0x3F97] =	sst lr;
	_ =	strace $0xD0000000  }
0x3: {  	_ = 	snop  }
0x4: {  	_ = 	snop  }
0x5: {  	_ = 	snop  }
0x6: {  	_ = 	snop  }
0x7: {  	_ = 	snop  }
__scs_overlays_trampoline_lowered:
0x8: {  	[smem:$0x3FA6] =	sst s0  }
0x9: {  	[smem:$0x3FA7] =	sst s1  }
0xa: {  	[smem:$0x3FA8] =	sst s2  }
0xb: {  	[smem:$0x3FA9] =	sst s3  }
0xc: {  	[smem:$0x3FAA] =	sst s4  }
0xd: {  	[smem:$0x3FAB] =	sst s5  }
0xe: {  	[smem:$0x3FAC] =	sst s6  }
0xf: {  	[smem:$0x3FAD] =	sst s7  }
0x10: {  	[smem:$0x3FAE] =	sst s8  }
0x11: {  	[smem:$0x3FAF] =	sst s9;
	s0 =	simm.s32 @!p0 $0x0  }
0x12: {  	s1 =	sld [smem:$0x3F95];
	s0 =	simm.s32 @p0 $0x1  }
0x13: {  	[smem:$0x3FB0] =	sst s0;
	s0 =	simm.s32 @!p1 $0x0  }
0x14: {  	s2 =	sld [smem:$0x3F94];
	s0 =	simm.s32 @p1 $0x1  }
0x15: {  	[smem:$0x3FB1] =	sst s0;
	s0 =	simm.s32 @!p2 $0x0  }
0x16: {  	s3 =	sld [smem:$0x3FDB];
	s0 =	simm.s32 @p2 $0x1  }
0x17: {  	s4 =	simm.s32 $0x1BF5;
	[smem:$0x3FB3] =	sst s0  }
0x18: {  	s0 =	sld [smem:$0x3F96];
	_ =	swait.ge [sflag:s4], $0x0  }
0x19: {  	s7 =	sld [smem:$0x3F97]  }
0x1a: {  	s8 =	sadd.s32 $0xFFFFE003, lr  }
0x1b: {  	s9 =	sadd.s32 $0xFFFFFEF7, lr;
	s5 =	simm.s32 $0xFFFFFFFF;
	p2 =	slt.u32 s8, $0xFFFFF086  }
0x1c: {  	p1 =	slt.u32 s9, $0xF7A;
	s5 =	simm.s32 @!p2 $0x0  }
0x1d: {  	s5 =	simm.s32 @p1 $0x1;
	p0 =	seq.s32 s7, s2  }
0x1e: {  	s7 =	smul.u32 @!p0 $0xF7A, s2;
	p2 =	seq.s32 @!p0 s5, $0x0  }
0x1f: {  	s9 =	smul.u32 $0xF7A, s1;
	s8 =	simm.s32 @!p0 $0x1BF5;
	p2 =	por !p2, p0  }
0x20: {  	[sflag:s8] =	ssyncset.s32 @!p0 $0xFFFFF086;
	s6 =	sadd.s32 @!p0 s3, s7;
	s7 =	simm.s32 @!p0 $0x108  }
0x21: {  	s3 =	sadd.s32 s3, s9;
	s6 =	sadd.s32 @!p0 $0x88, s6;
	s7 =	simm.s32 @p2 $0x1082  }
0x22: {  	[simem:s7], [sflag:s8] =	dma.local @!p0 [hbm:s6], $0xF7A  }
0x23: {  	s9 =	sor.u32 $0xD0000000, s2;
	s6 =	simm.s32 $0x108;
	_ =	swait.ge @!p0 [sflag:s8], $0x0  }
0x24: {  	s3 =	sadd.s32 $0x88, s3;
	s6 =	simm.s32 @!p1 $0x1082;
	[sflag:s4] =	ssyncset.s32 $0xFFFFF086  }
0x25: {  	[simem:s6], [sflag:s4] =	dma.local [hbm:s3], $0xF7A  }
0x26: {  	[smem:$0x3F97] =	sst s1;
	(tag) =	ssettag s2;
	_ =	strace s9  }
0x27: {  	s1 =	sld [smem:$0x3FA7]  }
0x28: {  	s2 =	sld [smem:$0x3FA8]  }
0x29: {  	s4 =	sld [smem:$0x3FAA]  }
0x2a: {  	p0 =	seq.s32 s5, $0x0;
	s5 =	sld [smem:$0x3FAB]  }
0x2b: {  	s6 =	sld [smem:$0x3FAC]  }
0x2c: {  	s7 =	sld [smem:$0x3FAD]  }
0x2d: {  	s3 =	simm.s32 $0x108;
	s8 =	sld [smem:$0x3FAE]  }
0x2e: {  	s3 =	simm.s32 @!p0 $0x1082;
	s9 =	sld [smem:$0x3FAF]  }
0x2f: {  	lr =	sadd.s32 s0, s3;
	s0 =	sld [smem:$0x3FA6]  }
0x30: {  	s3 =	sld [smem:$0x3FA9]  }
0x31: {  	[smem:$0x3FB2] =	sst s10  }
0x32: {  	s10 =	sld [smem:$0x3FB0];
	_ =	sdelay $0x3  }
0x33: {  	p0 =	seq.s32 s10, $0x1;
	s10 =	sld [smem:$0x3FB2];
	_ =	sdelay $0x3  }
0x34: {  	[smem:$0x3FB2] =	sst s10  }
0x35: {  	s10 =	sld [smem:$0x3FB1];
	_ =	sdelay $0x3  }
0x36: {  	p1 =	seq.s32 s10, $0x1;
	s10 =	sld [smem:$0x3FB2];
	_ =	sdelay $0x3  }
0x37: {  	[smem:$0x3FB2] =	sst s10  }
0x38: {  	s10 =	sld [smem:$0x3FB3]  }
0x39: {  	_ = 	snop;
	(pc) =	sbr.ind lr, $3  }
0x3a: {  	_ = 	snop  }
0x3b: {  	_ = 	snop  }
0x3c: {  	p2 =	seq.s32 s10, $0x1;
	s10 =	sld [smem:$0x3FB2]  }
0x3d: {  	_ =	shalt  }
0x3e: {  	_ =	shalt  }
0x3f: {  	_ =	shalt  }
0x40: {  	_ =	shalt  }
0x41: {  	_ =	shalt  }
0x42: {  	_ =	shalt  }
0x43: {  	_ =	shalt  }
0x44: {  	_ =	shalt  }
0x45: {  	_ =	shalt  }
0x46: {  	_ =	shalt  }
0x47: {  	_ =	shalt  }
0x48: {  	_ =	shalt  }
0x49: {  	_ =	shalt  }
0x4a: {  	_ =	shalt  }
0x4b: {  	_ =	shalt  }
0x4c: {  	_ =	shalt  }
0x4d: {  	_ =	shalt  }
0x4e: {  	_ =	shalt  }
0x4f: {  	_ =	shalt  }
0x50: {  	_ =	shalt  }
0x51: {  	_ =	shalt  }
0x52: {  	_ =	shalt  }
0x53: {  	_ =	shalt  }
0x54: {  	_ =	shalt  }
0x55: {  	_ =	shalt  }
0x56: {  	_ =	shalt  }
0x57: {  	_ =	shalt  }
0x58: {  	_ =	shalt  }
0x59: {  	_ =	shalt  }
0x5a: {  	_ =	shalt  }
0x5b: {  	_ =	shalt  }
0x5c: {  	_ =	shalt  }
0x5d: {  	_ =	shalt  }
0x5e: {  	_ =	shalt  }
0x5f: {  	_ =	shalt  }
0x60: {  	_ =	shalt  }
0x61: {  	_ =	shalt  }
0x62: {  	_ =	shalt  }
0x63: {  	_ =	shalt  }
0x64: {  	_ =	shalt  }
0x65: {  	_ =	shalt  }
0x66: {  	_ =	shalt  }
0x67: {  	_ =	shalt  }
0x68: {  	_ =	shalt  }
0x69: {  	_ =	shalt  }
0x6a: {  	_ =	shalt  }
0x6b: {  	_ =	shalt  }
0x6c: {  	_ =	shalt  }
0x6d: {  	_ =	shalt  }
0x6e: {  	_ =	shalt  }
0x6f: {  	_ =	shalt  }
0x70: {  	_ =	shalt  }
0x71: {  	_ =	shalt  }
0x72: {  	_ =	shalt  }
0x73: {  	_ =	shalt  }
0x74: {  	_ =	shalt  }
0x75: {  	_ =	shalt  }
0x76: {  	_ =	shalt  }
0x77: {  	_ =	shalt  }
0x78: {  	_ =	shalt  }
0x79: {  	_ =	shalt  }
0x7a: {  	_ =	shalt  }
0x7b: {  	_ =	shalt  }
0x7c: {  	_ =	shalt  }
0x7d: {  	_ =	shalt  }
0x7e: {  	_ =	shalt  }
0x7f: {  	_ =	shalt  }
0x80: {  	_ =	shalt  }
0x81: {  	_ =	shalt  }
0x82: {  	_ =	shalt  }
0x83: {  	_ =	shalt  }
0x84: {  	_ =	shalt  }
0x85: {  	_ =	shalt  }
0x86: {  	_ =	shalt  }
0x87: {  	_ =	shalt  }
.Lfunc_end0:
.L_simem_size_0:
called_computation.1_lowered:
.L_overlay_start_0:
0x88: {  	s2 =	sld [smem:$0x3FD9]  }
0x89: {  	s3 =	sld [smem:$0x3FFE];
	_ =	sdelay $0x1  }
0x8a: {  	s1 =	srdreg.scid  }
0x8b: {  	s0 =	sand.u32 $0x1, s1  }
0x8c: {  	s17 =	sshll.u32 s0, $0xA;
	s2 =	sadd.s32 s3, s2  }
0x8d: {  	s2 =	sadd.s32 s2, s17  }
0x8e: {  	[smem:$0x3FBE] =	sst s2  }
0x8f: {  	_ = 	snop  }
0x90: {  	s2 =	sld [smem:$0x3FD0];
	(tm) =	ssettm $0x1  }
0x91: {  	s18 =	sld [smem:$0x3FFB];
	_ =	sdelay $0x3  }
0x92: {  	_ =	strace s18  }
0x93: {  	s3 =	sld [smem:$0x3FFC];
	_ =	sdelay $0x3  }
0x94: {  	_ =	strace s3  }
0x95: {  	s3 =	sld [smem:$0x3FFD];
	_ =	sdelay $0x3  }
0x96: {  	_ =	strace s3  }
0x97: {  	_ =	strace $0x8FFFFFFF  }
0x98: {  	s19 =	sld [smem:$0x3FDB];
	_ =	sdelay $0x1  }
0x99: {  	s4 =	simm.s32 $_scs_section_size  }
0x9a: {  	s5 =	simm.s32 $_size__tile_overlayer_lowered;
	s6 =	simm.s32 $_tile_overlayer_lowered  }
0x9b: {  	s22 =	simm.s32 $0x1BFF;
	s21 =	sshll.u32 s6, $0x1;
	s3 =	sadd.s32 s4, s19  }
0x9c: {  	s7 =	simm.s32 $0x0;
	s20 =	sshll.u32 s5, $0x1;
	s5 =	sadd.s32 s21, s3  }
0x9d: {  	[timem:s7], [sflag:s22] =	dma.local [hbm:s5], s20  }
0x9e: {  	_ =	swait.ge [sflag:s22], s20  }
0x9f: {  	s4 =	ssub.s32 $0x0, s20;
	[sflag:s22] =	ssyncset.done $0x0  }
0xa0: {  	[sflag:s22] =	ssyncadd.s32 s4;
	_ =	sdelay $0x1  }
0xa1: {  	s23 =	simm.s32 $0x1B8B  }
0xa2: {  	_ =	swait.ge [sflag:s23], $0x1  }
0xa3: {  	[sflag:s23] =	ssyncset.done $0x0  }
0xa4: {  	s25 =	simm.s32 $0x1B8E;
	s24 =	sld [smem:$0x3FFE];
	[sflag:s23] =	ssyncadd.s32 $0xFFFFFFFF  }
0xa5: {  	s26 =	simm.s32 $execute0_lowered;
	[smem:$0x3FD2] =	sst s25  }
0xa6: {  	s5 =	sshll.u32 s26, $0x1;
	_ =	strace $0x80000049;
	[dreg:$0x1] =	wrdreg $0xFFFFFFFF  }
0xa7: {  	s28 =	simm.s32 $_size_execute0_lowered;
	s3 =	sadd.s32 s3, s5;
	[dreg:$0x0] =	wrdreg $0x0  }
0xa8: {  	s5 =	sshll.u32 s28, $0x1;
	[dreg:$0x2] =	wrdreg s3  }
0xa9: {  	[dreg:$0x3] =	wrdreg s5  }
0xaa: {  	[dreg:$0x4] =	wrdreg $0xC0  }
0xab: {  	_ =	task [dreg:s7], $0x5FFFF  }
0xac: {  	[dreg:$0x1] =	wrdreg $0xFFFFFFFF  }
0xad: {  	[dreg:$0x0] =	wrdreg $0x60  }
0xae: {  	[dreg:$0x2] =	wrdreg s24  }
0xaf: {  	[dreg:$0x3] =	wrdreg s2  }
0xb0: {  	[dreg:$0x4] =	wrdreg $0xA8000  }
0xb1: {  	[dreg:$0x5] =	wrdreg $0x9  }
0xb2: {  	_ =	task.clear_ibuf [dreg:s7], $0x6FFFF;
	_ =	strace $0x90000049  }
0xb3: {  	s29 =	simm.s32 $0x9;
	_ =	strace $0x8000004B  }
0xb4: {  	_ =	swait.ge [sflag:s29], $0x1  }
0xb5: {  	[sflag:s29] =	ssyncadd.s32 $0xFFFFFFFF  }
0xb6: {  	_ =	strace $0x9000004B  }
0xb7: {  	_ =	sfence  }
0xb8: {  	s30 =	sld [smem:$0x0];
	_ =	sdelay $0x2  }
0xb9: {  	s31 =	sshll.u32 s1, $0xD;
	s1 =	sshrl.u32 s1, $0x2  }
0xba: {  	s3 =	sand.u32 $0x4000, s31;
	s1 =	sadd.s32 s1, s30  }
0xbb: {  	s0 =	sor.u32 s3, s0;
	s1 =	sshll.u32 s1, $0x11  }
0xbc: {  	s0 =	sor.u32 s1, s0  }
0xbd: {  	s0 =	sadd.s32 $0x8F2B, s0  }
0xbe: {  	[sflag:s0] =	ssyncadd.remote.s32 $0x1  }
0xbf: {  	_ =	sfence.sel $0xFFFF  }
0xc0: {  	[dreg:$0x0] =	wrdreg $0xFFFFFFFF;
	(pc) =	sbr.abs _section_cstart, $3  }
0xc1: {  	[dreg:$0x1] =	wrdreg $0xFFFFFFFF  }
0xc2: {  	_ =	task.clear_ibuf [dreg:s7], $0x2FFFF;
	_ =	strace $0x9FFFFFFF  }
0xc3: {  	(tm) =	ssettm $0x7FFFFFFF  }
tec
execute0_lowered:
.L_overlay_start_1:
0x0: {  	(tag) =	ssettag $0x1  }
0x1: {  	s5 =	rddreg [dreg:$0x0]  }
0x2: {  	s10 =	rddreg [dreg:$0x1]  }
0x3: {  	s2 =	rddreg [dreg:$0x2]  }
0x4: {  	s0 =	rddreg [dreg:$0x3]  }
0x5: {  	s3 =	simm.s32 $0x0;
	s1 =	stileid.u32;
	s7 =	srdreg.scid  }
0x6: {  	s16 =	simm.s32 $0x2800;
	s17 =	simm.s32 $0x6800;
	s18 =	simm.s32 $0x1  }
0x7: {  	s19 =	simm.s32 $0x2;
	s20 =	simm.s32 $0x2700;
	s21 =	simm.s32 $0x2780  }
0x8: {  	[smem:$0x7FF] =	sst s3;
	s22 =	smul.u32 $0x2780, s1;
	s4 =	sadd.s32 $0xD400, s5  }
0x9: {  	s9 =	sadd.s32 $0x3400, s5;
	s7 =	sand.u32 $0x1, s7;
	s8 =	smul.u32 $0x4F000, s1  }
0xa: {  	s11 =	sshll.u32 s1, $0x1;
	s30 =	sshll.u32 s1, $0x6;
	_ =	strace $0x8000004A  }
0xb: {  	s12 =	smul.u32 $0x27800, s7;
	s13 =	ssub.s32 $0x2, s7;
	s7 =	sor.u32 s7, s11  }
0xc: {  	s6 =	sadd.s32 s22, s5;
	s28 =	sshrl.u32 s13, $0x1;
	s14 =	smul.u32 $0x2800, s7  }
0xd: {  	s8 =	sshrl.u32 s8, $0x2;
	s15 =	smul.u32 $0x500, s7;
	s12 =	sadd.s32 s12, s5  }
0xe: {  	s11 =	ssub.s32 s13, s28;
	s29 =	sadd.s32 s8, s2;
	s5 =	sadd.s32 $0x34C00, s6  }
0xf: {  	s6 =	sor.u32 $0x1C03, s30;
	s13 =	simm.s32 $0x3;
	s31 =	sshrl.u32 s14, $0x3  }
0x10: {  	s7 =	sadd.s32 s9, s15;
	s8 =	sadd.s32 s10, s15;
	s23 =	sadd.s32 $0x5C400, s12  }
0x11: {  	s11 =	smax.u32 s11, $0x1;
	s12 =	sshrl.u32 s29, $0x3;
	s15 =	simm.s32 $0x80  }
0x12: {  	s14 =	sadd.s32 $0x280, s31;
	s22 =	sadd.s32 s22, s23;
	s23 =	simm.s32 $0x0  }
0x13: {  	s9 =	sadd.s32 s9, s14;
	s10 =	sadd.s32 s10, s14;
	s14 =	simm.s32 $0x1400  }
.LBB2_1:
0x14: {  	[spmem:s12], [sflag:s6] =	dma.local [hbm:s5], $0x2780  }
0x15: {  	_ =	swait.ge [sflag:s13], $0x2780  }
0x16: {  	[sflag:s13] =	ssyncset.done $0x0  }
0x17: {  	[sflag:s13] =	ssyncadd.s32 $0xFFFFD880  }
0x18: {  	[bflag:$0x0] =	sbarrier.arrive $0xFFFF  }
0x19: {  	[tilespmem:s3], [sflag:$0x3] =	stream.linear.gather [hbm4b:s7+s3], $0x1400, $0x38;
	[tilespmem:$0x1E400] =	vst v63  }
0x1a: {  	_ =	swait.ge [sflag:s13], $0x1400  }
0x1b: {  	[sflag:s13] =	ssyncset.done $0x0  }
0x1c: {  	[sflag:s13] =	ssyncadd.s32 $0xFFFFEC00  }
0x1d: {  	[tilespmem:s14], [sflag:$0x3] =	stream.linear.gather [hbm4b:s8+s3], $0x1400, $0x38;
	[tilespmem:$0x1E400] =	vst v63  }
0x1e: {  	_ =	swait.ge [sflag:s13], $0x1400  }
0x1f: {  	[sflag:s13] =	ssyncset.done $0x0  }
0x20: {  	[sflag:s13] =	ssyncadd.s32 $0xFFFFEC00  }
0x21: {  	[tilespmem:s16], [sflag:$0x1] =	stream.indirect.gather [hbm4b:s4+s15], $0x80, s3, s15, $0xb8;
	[tilespmem:$0x1E400] =	vst v63  }
0x22: {  	_ = 	snop  }
0x23: {  	[tilespmem:s17], [sflag:$0x2] =	stream.indirect.gather [hbm4b:s4+s15], $0x80, s15, s15, $0xb8;
	[tilespmem:$0x1E400] =	vst v63  }
0x24: {  	_ =	swait.ge [sflag:s18], $0x4000  }
0x25: {  	[sflag:s18] =	ssyncset.done $0x0  }
0x26: {  	s24 =	simm.s32 $0x1400;
	[sflag:s18] =	ssyncadd.s32 $0xFFFFC000  }
0x27: {  	[spmem:s2] =	stream.indirect.scatter.add.f32 [tilespmem:s16], [sflag:$0x3], $0x80, s24, s15, $0xb8;
	[tilespmem:$0x1E400] =	vst v63  }
0x28: {  	_ =	swait.ge [sflag:s13], $0x4000  }
0x29: {  	[sflag:s13] =	ssyncset.done $0x0  }
0x2a: {  	s30 =	simm.s32 $0x100;
	[sflag:s13] =	ssyncadd.s32 $0xFFFFC000  }
0x2b: {  	[tilespmem:s16], [sflag:$0x1] =	stream.indirect.gather [hbm4b:s4+s15], $0x80, s30, s15, $0xb8;
	[tilespmem:$0x1E400] =	vst v63  }
0x2c: {  	_ =	swait.ge [sflag:s19], $0x4000  }
0x2d: {  	[sflag:s19] =	ssyncset.done $0x0  }
0x2e: {  	s31 =	simm.s32 $0x1480;
	[sflag:s19] =	ssyncadd.s32 $0xFFFFC000  }
0x2f: {  	[spmem:s2] =	stream.indirect.scatter.add.f32 [tilespmem:s17], [sflag:$0x3], $0x80, s31, s15, $0xb8;
	[tilespmem:$0x1E400] =	vst v63  }
0x30: {  	_ =	swait.ge [sflag:s13], $0x4000  }
0x31: {  	[sflag:s13] =	ssyncset.done $0x0  }
0x32: {  	s25 =	simm.s32 $0x180;
	s24 =	simm.s32 $0x400;
	[sflag:s13] =	ssyncadd.s32 $0xFFFFC000  }
.LBB2_2:
0x33: {  	[tilespmem:s17], [sflag:$0x2] =	stream.indirect.gather [hbm4b:s4+s15], $0x80, s25, s15, $0xb8;
	[tilespmem:$0x1E400] =	vst v63  }
0x34: {  	s25 =	smov.u32 s24  }
0x35: {  	p0 =	sne.s32 s24, $0x4800;
	s24 =	sadd.s32 $0x400, s24;
	_ =	swait.ge [sflag:s18], $0x4000  }
0x36: {  	s25 =	sshra.s32 s25, $0x2;
	[sflag:s18] =	ssyncset.done $0x0  }
0x37: {  	s26 =	sadd.s32 $0x1400, s25;
	[sflag:s18] =	ssyncadd.s32 $0xFFFFC000  }
0x38: {  	[spmem:s2] =	stream.indirect.scatter.add.f32 [tilespmem:s16], [sflag:$0x3], $0x80, s26, s15, $0xb8;
	[tilespmem:$0x1E400] =	vst v63  }
0x39: {  	_ =	swait.ge [sflag:s13], $0x4000  }
0x3a: {  	[sflag:s13] =	ssyncset.done $0x0  }
0x3b: {  	s26 =	sadd.s32 $0x100, s25;
	[sflag:s13] =	ssyncadd.s32 $0xFFFFC000  }
0x3c: {  	[tilespmem:s16], [sflag:$0x1] =	stream.indirect.gather [hbm4b:s4+s15], $0x80, s26, s15, $0xb8;
	[tilespmem:$0x1E400] =	vst v63  }
0x3d: {  	_ =	swait.ge [sflag:s19], $0x4000  }
0x3e: {  	[sflag:s19] =	ssyncset.done $0x0  }
.Ltmp0:
0x3f: {  	s26 =	sadd.s32 $0x1480, s25;
	[sflag:s19] =	ssyncadd.s32 $0xFFFFC000;
	(pc) =	sbr.rel @p0 .LBB2_2-.Ltmp0, $4  }
0x40: {  	[spmem:s2] =	stream.indirect.scatter.add.f32 [tilespmem:s17], [sflag:$0x3], $0x80, s26, s15, $0xb8;
	[tilespmem:$0x1E400] =	vst v63  }
0x41: {  	_ =	swait.ge [sflag:s13], $0x4000  }
0x42: {  	[sflag:s13] =	ssyncset.done $0x0  }
0x43: {  	s25 =	sadd.s32 $0x180, s25;
	[sflag:s13] =	ssyncadd.s32 $0xFFFFC000  }
0x44: {  	[tilespmem:s17], [sflag:$0x2] =	stream.indirect.gather [hbm4b:s4+s15], $0x80, s25, s15, $0xb8;
	[tilespmem:$0x1E400] =	vst v63  }
0x45: {  	_ =	swait.ge [sflag:s18], $0x4000  }
0x46: {  	[sflag:s18] =	ssyncset.done $0x0  }
0x47: {  	[sflag:s18] =	ssyncadd.s32 $0xFFFFC000  }
0x48: {  	[spmem:s2] =	stream.indirect.scatter.add.f32 [tilespmem:s16], [sflag:$0x3], $0x80, s20, s15, $0xb8;
	[tilespmem:$0x1E400] =	vst v63  }
0x49: {  	_ =	swait.ge [sflag:s13], $0x4000  }
0x4a: {  	[sflag:s13] =	ssyncset.done $0x0  }
0x4b: {  	[sflag:s13] =	ssyncadd.s32 $0xFFFFC000  }
0x4c: {  	_ =	swait.ge [sflag:s19], $0x4000  }
0x4d: {  	[sflag:s19] =	ssyncset.done $0x0  }
0x4e: {  	[sflag:s19] =	ssyncadd.s32 $0xFFFFC000  }
0x4f: {  	[spmem:s2] =	stream.indirect.scatter.add.f32 [tilespmem:s17], [sflag:$0x3], $0x80, s21, s15, $0xb8;
	[tilespmem:$0x1E400] =	vst v63  }
0x50: {  	_ =	swait.ge [sflag:s13], $0x4000  }
0x51: {  	[sflag:s13] =	ssyncset.done $0x0  }
0x52: {  	s24 =	simm.s32 $0x0;
	[sflag:s13] =	ssyncadd.s32 $0xFFFFC000  }
0x53: {  	[tilespmem:s24], [sflag:$0x3] =	stream.linear.gather [hbm4b:s9+s24], $0x1400, $0x38;
	[tilespmem:$0x1E400] =	vst v63  }
0x54: {  	_ =	swait.ge [sflag:s13], $0x1400  }
0x55: {  	[sflag:s13] =	ssyncset.done $0x0  }
0x56: {  	[sflag:s13] =	ssyncadd.s32 $0xFFFFEC00  }
0x57: {  	[tilespmem:s14], [sflag:$0x3] =	stream.linear.gather [hbm4b:s10+s24], $0x1400, $0x38;
	[tilespmem:$0x1E400] =	vst v63  }
0x58: {  	_ =	swait.ge [sflag:s13], $0x1400  }
0x59: {  	[sflag:s13] =	ssyncset.done $0x0  }
0x5a: {  	[sflag:s13] =	ssyncadd.s32 $0xFFFFEC00  }
0x5b: {  	[tilespmem:s16], [sflag:$0x1] =	stream.indirect.gather [hbm4b:s4+s15], $0x80, s24, s15, $0xb8;
	[tilespmem:$0x1E400] =	vst v63  }
0x5c: {  	_ = 	snop  }
0x5d: {  	[tilespmem:s17], [sflag:$0x2] =	stream.indirect.gather [hbm4b:s4+s15], $0x80, s15, s15, $0xb8;
	[tilespmem:$0x1E400] =	vst v63  }
0x5e: {  	_ =	swait.ge [sflag:s18], $0x4000  }
0x5f: {  	[sflag:s18] =	ssyncset.done $0x0  }
0x60: {  	s29 =	simm.s32 $0x1400;
	[sflag:s18] =	ssyncadd.s32 $0xFFFFC000  }
0x61: {  	[spmem:s2] =	stream.indirect.scatter.add.f32 [tilespmem:s16], [sflag:$0x3], $0x80, s29, s15, $0xb8;
	[tilespmem:$0x1E400] =	vst v63  }
0x62: {  	_ =	swait.ge [sflag:s13], $0x4000  }
0x63: {  	[sflag:s13] =	ssyncset.done $0x0  }
0x64: {  	s30 =	simm.s32 $0x100;
	[sflag:s13] =	ssyncadd.s32 $0xFFFFC000  }
0x65: {  	[tilespmem:s16], [sflag:$0x1] =	stream.indirect.gather [hbm4b:s4+s15], $0x80, s30, s15, $0xb8;
	[tilespmem:$0x1E400] =	vst v63  }
0x66: {  	_ =	swait.ge [sflag:s19], $0x4000  }
0x67: {  	[sflag:s19] =	ssyncset.done $0x0  }
0x68: {  	s31 =	simm.s32 $0x1480;
	[sflag:s19] =	ssyncadd.s32 $0xFFFFC000  }
0x69: {  	[spmem:s2] =	stream.indirect.scatter.add.f32 [tilespmem:s17], [sflag:$0x3], $0x80, s31, s15, $0xb8;
	[tilespmem:$0x1E400] =	vst v63  }
0x6a: {  	_ =	swait.ge [sflag:s13], $0x4000  }
0x6b: {  	[sflag:s13] =	ssyncset.done $0x0  }
0x6c: {  	s25 =	simm.s32 $0x180;
	s24 =	simm.s32 $0x400;
	[sflag:s13] =	ssyncadd.s32 $0xFFFFC000  }
.LBB2_4:
0x6d: {  	[tilespmem:s17], [sflag:$0x2] =	stream.indirect.gather [hbm4b:s4+s15], $0x80, s25, s15, $0xb8;
	[tilespmem:$0x1E400] =	vst v63  }
0x6e: {  	s25 =	smov.u32 s24  }
0x6f: {  	p0 =	sne.s32 s24, $0x4800;
	s24 =	sadd.s32 $0x400, s24;
	_ =	swait.ge [sflag:s18], $0x4000  }
0x70: {  	s25 =	sshra.s32 s25, $0x2;
	[sflag:s18] =	ssyncset.done $0x0  }
0x71: {  	s26 =	sadd.s32 $0x1400, s25;
	[sflag:s18] =	ssyncadd.s32 $0xFFFFC000  }
0x72: {  	[spmem:s2] =	stream.indirect.scatter.add.f32 [tilespmem:s16], [sflag:$0x3], $0x80, s26, s15, $0xb8;
	[tilespmem:$0x1E400] =	vst v63  }
0x73: {  	_ =	swait.ge [sflag:s13], $0x4000  }
0x74: {  	[sflag:s13] =	ssyncset.done $0x0  }
0x75: {  	s26 =	sadd.s32 $0x100, s25;
	[sflag:s13] =	ssyncadd.s32 $0xFFFFC000  }
0x76: {  	[tilespmem:s16], [sflag:$0x1] =	stream.indirect.gather [hbm4b:s4+s15], $0x80, s26, s15, $0xb8;
	[tilespmem:$0x1E400] =	vst v63  }
0x77: {  	_ =	swait.ge [sflag:s19], $0x4000  }
0x78: {  	[sflag:s19] =	ssyncset.done $0x0  }
.Ltmp1:
0x79: {  	s26 =	sadd.s32 $0x1480, s25;
	[sflag:s19] =	ssyncadd.s32 $0xFFFFC000;
	(pc) =	sbr.rel @p0 .LBB2_4-.Ltmp1, $4  }
0x7a: {  	[spmem:s2] =	stream.indirect.scatter.add.f32 [tilespmem:s17], [sflag:$0x3], $0x80, s26, s15, $0xb8;
	[tilespmem:$0x1E400] =	vst v63  }
0x7b: {  	_ =	swait.ge [sflag:s13], $0x4000  }
0x7c: {  	[sflag:s13] =	ssyncset.done $0x0  }
0x7d: {  	s25 =	sadd.s32 $0x180, s25;
	[sflag:s13] =	ssyncadd.s32 $0xFFFFC000  }
0x7e: {  	[tilespmem:s17], [sflag:$0x2] =	stream.indirect.gather [hbm4b:s4+s15], $0x80, s25, s15, $0xb8;
	[tilespmem:$0x1E400] =	vst v63  }
0x7f: {  	_ =	swait.ge [sflag:s18], $0x4000  }
0x80: {  	[sflag:s18] =	ssyncset.done $0x0  }
0x81: {  	[sflag:s18] =	ssyncadd.s32 $0xFFFFC000  }
0x82: {  	[spmem:s2] =	stream.indirect.scatter.add.f32 [tilespmem:s16], [sflag:$0x3], $0x80, s20, s15, $0xb8;
	[tilespmem:$0x1E400] =	vst v63  }
0x83: {  	_ =	swait.ge [sflag:s13], $0x4000  }
0x84: {  	[sflag:s13] =	ssyncset.done $0x0  }
0x85: {  	[sflag:s13] =	ssyncadd.s32 $0xFFFFC000  }
0x86: {  	_ =	swait.ge [sflag:s19], $0x4000  }
0x87: {  	[sflag:s19] =	ssyncset.done $0x0  }
0x88: {  	[sflag:s19] =	ssyncadd.s32 $0xFFFFC000  }
0x89: {  	[spmem:s2] =	stream.indirect.scatter.add.f32 [tilespmem:s17], [sflag:$0x3], $0x80, s21, s15, $0xb8;
	[tilespmem:$0x1E400] =	vst v63  }
0x8a: {  	_ =	swait.ge [sflag:s13], $0x4000  }
0x8b: {  	s23 =	sadd.s32 $0x1, s23;
	[sflag:s13] =	ssyncset.done $0x0  }
0x8c: {  	p0 =	sne.s32 s23, s11;
	[sflag:s13] =	ssyncadd.s32 $0xFFFFC000  }
.Ltmp2:
0x8d: {  	[bflag:$0x0] =	sbarrier.arrive $0xFFFF;
	(pc) =	sbr.rel @p0 .LBB2_1-.Ltmp2, $4  }
0x8e: {  	[hbm:s22], [sflag:s6] =	dma.local [spmem:s12], $0x2780  }
0x8f: {  	_ =	swait.ge [sflag:s13], $0x2780  }
0x90: {  	[sflag:s13] =	ssyncset.done $0x0  }
0x91: {  	[sflag:s13] =	ssyncadd.s32 $0xFFFFD880  }
0x92: {  	_ =	sfence.sel $0x180000  }
0x93: {  	[bflag:$0x0] =	sbarrier.arrive $0xFFFF  }
0x94: {  	p0 =	sne.s32 s1, $0x0;
	_ =	strace $0x9000004A  }
0x95: {  	s0 =	sadd.s32 @!p0 $0x100000, s0;
	[bflag:$0x2] =	sbarrier.arrive $0xFFFF  }
0x96: {  	[sflag:s0] =	ssyncadd.tile.s32 @!p0 $0x1;
	_ =	shalt  }
.Lfunc_end2:
_tile_overlayer_lowered:
.L_overlay_start_2:
0x97: {  	(tag) =	ssettag $0x2  }
0x98: {  	s0 =	rddreg [dreg:$0x0];
	s2 =	stileid.u32  }
0x99: {  	s1 =	rddreg [dreg:$0x1];
	p0 =	sne.s32 s2, $0x0  }
0x9a: {  	s3 =	rddreg [dreg:$0x2];
	[bflag:$0x3] =	sbarrier.arrive $0xFFFF;
	s2 =	simm.s32 @!p0 $0x1C03  }
0x9b: {  	[timem:s3], [sflag:s2] =	dma.local @!p0 [hbm:s0], s1  }
0x9c: {  	s0 =	simm.s32 @!p0 $0x3  }
0x9d: {  	_ =	swait.ge @!p0 [sflag:s0], s1  }
0x9e: {  	s1 =	ssub.s32 @!p0 $0x0, s1;
	[sflag:s0] =	ssyncset.done @!p0 $0x0  }
0x9f: {  	[sflag:s0] =	ssyncadd.s32 @!p0 s1  }
0xa0: {  	[bflag:$0x3] =	sbarrier.arrive $0xFFFF  }
0xa1: {  	_ =	shalt  }

// kernel: kernel.15.cloned.1.call-start
scs
__scs_entry_jumppad:
0x0: {  	(pc) =	sbr.rel $0x88, $3  }
0x1: {  	(tag) =	ssettag $0x0;
	lr =	simm.s32 $0x1  }
0x2: {  	[smem:$0x3F97] =	sst lr;
	_ =	strace $0xD0000000  }
0x3: {  	_ = 	snop  }
0x4: {  	_ = 	snop  }
0x5: {  	_ = 	snop  }
0x6: {  	_ = 	snop  }
0x7: {  	_ = 	snop  }
__scs_overlays_trampoline_lowered:
0x8: {  	[smem:$0x3FA6] =	sst s0  }
0x9: {  	[smem:$0x3FA7] =	sst s1  }
0xa: {  	[smem:$0x3FA8] =	sst s2  }
0xb: {  	[smem:$0x3FA9] =	sst s3  }
0xc: {  	[smem:$0x3FAA] =	sst s4  }
0xd: {  	[smem:$0x3FAB] =	sst s5  }
0xe: {  	[smem:$0x3FAC] =	sst s6  }
0xf: {  	[smem:$0x3FAD] =	sst s7  }
0x10: {  	[smem:$0x3FAE] =	sst s8  }
0x11: {  	[smem:$0x3FAF] =	sst s9;
	s0 =	simm.s32 @!p0 $0x0  }
0x12: {  	s1 =	sld [smem:$0x3F95];
	s0 =	simm.s32 @p0 $0x1  }
0x13: {  	[smem:$0x3FB0] =	sst s0;
	s0 =	simm.s32 @!p1 $0x0  }
0x14: {  	s2 =	sld [smem:$0x3F94];
	s0 =	simm.s32 @p1 $0x1  }
0x15: {  	[smem:$0x3FB1] =	sst s0;
	s0 =	simm.s32 @!p2 $0x0  }
0x16: {  	s3 =	sld [smem:$0x3FDB];
	s0 =	simm.s32 @p2 $0x1  }
0x17: {  	s4 =	simm.s32 $0x1BF5;
	[smem:$0x3FB3] =	sst s0  }
0x18: {  	s0 =	sld [smem:$0x3F96];
	_ =	swait.ge [sflag:s4], $0x0  }
0x19: {  	s7 =	sld [smem:$0x3F97]  }
0x1a: {  	s8 =	sadd.s32 $0xFFFFE003, lr  }
0x1b: {  	s9 =	sadd.s32 $0xFFFFFEF7, lr;
	s5 =	simm.s32 $0xFFFFFFFF;
	p2 =	slt.u32 s8, $0xFFFFF086  }
0x1c: {  	p1 =	slt.u32 s9, $0xF7A;
	s5 =	simm.s32 @!p2 $0x0  }
0x1d: {  	s5 =	simm.s32 @p1 $0x1;
	p0 =	seq.s32 s7, s2  }
0x1e: {  	s7 =	smul.u32 @!p0 $0xF7A, s2;
	p2 =	seq.s32 @!p0 s5, $0x0  }
0x1f: {  	s9 =	smul.u32 $0xF7A, s1;
	s8 =	simm.s32 @!p0 $0x1BF5;
	p2 =	por !p2, p0  }
0x20: {  	[sflag:s8] =	ssyncset.s32 @!p0 $0xFFFFF086;
	s6 =	sadd.s32 @!p0 s3, s7;
	s7 =	simm.s32 @!p0 $0x108  }
0x21: {  	s3 =	sadd.s32 s3, s9;
	s6 =	sadd.s32 @!p0 $0x88, s6;
	s7 =	simm.s32 @p2 $0x1082  }
0x22: {  	[simem:s7], [sflag:s8] =	dma.local @!p0 [hbm:s6], $0xF7A  }
0x23: {  	s9 =	sor.u32 $0xD0000000, s2;
	s6 =	simm.s32 $0x108;
	_ =	swait.ge @!p0 [sflag:s8], $0x0  }
0x24: {  	s3 =	sadd.s32 $0x88, s3;
	s6 =	simm.s32 @!p1 $0x1082;
	[sflag:s4] =	ssyncset.s32 $0xFFFFF086  }
0x25: {  	[simem:s6], [sflag:s4] =	dma.local [hbm:s3], $0xF7A  }
0x26: {  	[smem:$0x3F97] =	sst s1;
	(tag) =	ssettag s2;
	_ =	strace s9  }
0x27: {  	s1 =	sld [smem:$0x3FA7]  }
0x28: {  	s2 =	sld [smem:$0x3FA8]  }
0x29: {  	s4 =	sld [smem:$0x3FAA]  }
0x2a: {  	p0 =	seq.s32 s5, $0x0;
	s5 =	sld [smem:$0x3FAB]  }
0x2b: {  	s6 =	sld [smem:$0x3FAC]  }
0x2c: {  	s7 =	sld [smem:$0x3FAD]  }
0x2d: {  	s3 =	simm.s32 $0x108;
	s8 =	sld [smem:$0x3FAE]  }
0x2e: {  	s3 =	simm.s32 @!p0 $0x1082;
	s9 =	sld [smem:$0x3FAF]  }
0x2f: {  	lr =	sadd.s32 s0, s3;
	s0 =	sld [smem:$0x3FA6]  }
0x30: {  	s3 =	sld [smem:$0x3FA9]  }
0x31: {  	[smem:$0x3FB2] =	sst s10  }
0x32: {  	s10 =	sld [smem:$0x3FB0];
	_ =	sdelay $0x3  }
0x33: {  	p0 =	seq.s32 s10, $0x1;
	s10 =	sld [smem:$0x3FB2];
	_ =	sdelay $0x3  }
0x34: {  	[smem:$0x3FB2] =	sst s10  }
0x35: {  	s10 =	sld [smem:$0x3FB1];
	_ =	sdelay $0x3  }
0x36: {  	p1 =	seq.s32 s10, $0x1;
	s10 =	sld [smem:$0x3FB2];
	_ =	sdelay $0x3  }
0x37: {  	[smem:$0x3FB2] =	sst s10  }
0x38: {  	s10 =	sld [smem:$0x3FB3]  }
0x39: {  	_ = 	snop;
	(pc) =	sbr.ind lr, $3  }
0x3a: {  	_ = 	snop  }
0x3b: {  	_ = 	snop  }
0x3c: {  	p2 =	seq.s32 s10, $0x1;
	s10 =	sld [smem:$0x3FB2]  }
0x3d: {  	_ =	shalt  }
0x3e: {  	_ =	shalt  }
0x3f: {  	_ =	shalt  }
0x40: {  	_ =	shalt  }
0x41: {  	_ =	shalt  }
0x42: {  	_ =	shalt  }
0x43: {  	_ =	shalt  }
0x44: {  	_ =	shalt  }
0x45: {  	_ =	shalt  }
0x46: {  	_ =	shalt  }
0x47: {  	_ =	shalt  }
0x48: {  	_ =	shalt  }
0x49: {  	_ =	shalt  }
0x4a: {  	_ =	shalt  }
0x4b: {  	_ =	shalt  }
0x4c: {  	_ =	shalt  }
0x4d: {  	_ =	shalt  }
0x4e: {  	_ =	shalt  }
0x4f: {  	_ =	shalt  }
0x50: {  	_ =	shalt  }
0x51: {  	_ =	shalt  }
0x52: {  	_ =	shalt  }
0x53: {  	_ =	shalt  }
0x54: {  	_ =	shalt  }
0x55: {  	_ =	shalt  }
0x56: {  	_ =	shalt  }
0x57: {  	_ =	shalt  }
0x58: {  	_ =	shalt  }
0x59: {  	_ =	shalt  }
0x5a: {  	_ =	shalt  }
0x5b: {  	_ =	shalt  }
0x5c: {  	_ =	shalt  }
0x5d: {  	_ =	shalt  }
0x5e: {  	_ =	shalt  }
0x5f: {  	_ =	shalt  }
0x60: {  	_ =	shalt  }
0x61: {  	_ =	shalt  }
0x62: {  	_ =	shalt  }
0x63: {  	_ =	shalt  }
0x64: {  	_ =	shalt  }
0x65: {  	_ =	shalt  }
0x66: {  	_ =	shalt  }
0x67: {  	_ =	shalt  }
0x68: {  	_ =	shalt  }
0x69: {  	_ =	shalt  }
0x6a: {  	_ =	shalt  }
0x6b: {  	_ =	shalt  }
0x6c: {  	_ =	shalt  }
0x6d: {  	_ =	shalt  }
0x6e: {  	_ =	shalt  }
0x6f: {  	_ =	shalt  }
0x70: {  	_ =	shalt  }
0x71: {  	_ =	shalt  }
0x72: {  	_ =	shalt  }
0x73: {  	_ =	shalt  }
0x74: {  	_ =	shalt  }
0x75: {  	_ =	shalt  }
0x76: {  	_ =	shalt  }
0x77: {  	_ =	shalt  }
0x78: {  	_ =	shalt  }
0x79: {  	_ =	shalt  }
0x7a: {  	_ =	shalt  }
0x7b: {  	_ =	shalt  }
0x7c: {  	_ =	shalt  }
0x7d: {  	_ =	shalt  }
0x7e: {  	_ =	shalt  }
0x7f: {  	_ =	shalt  }
0x80: {  	_ =	shalt  }
0x81: {  	_ =	shalt  }
0x82: {  	_ =	shalt  }
0x83: {  	_ =	shalt  }
0x84: {  	_ =	shalt  }
0x85: {  	_ =	shalt  }
0x86: {  	_ =	shalt  }
0x87: {  	_ =	shalt  }
.Lfunc_end0:
.L_simem_size_0:
called_computation.2_lowered:
.L_overlay_start_0:
0x88: {  	s2 =	sld [smem:$0x3FD9]  }
0x89: {  	s3 =	sld [smem:$0x3FFE];
	_ =	sdelay $0x1  }
0x8a: {  	s1 =	srdreg.scid  }
0x8b: {  	s0 =	sand.u32 $0x1, s1  }
0x8c: {  	s17 =	sshll.u32 s0, $0xA;
	s2 =	sadd.s32 s3, s2  }
0x8d: {  	s2 =	sadd.s32 s2, s17  }
0x8e: {  	[smem:$0x3FBE] =	sst s2  }
0x8f: {  	_ = 	snop  }
0x90: {  	s2 =	sld [smem:$0x3FD0];
	(tm) =	ssettm $0x1  }
0x91: {  	s18 =	sld [smem:$0x3FFB];
	_ =	sdelay $0x3  }
0x92: {  	_ =	strace s18  }
0x93: {  	s3 =	sld [smem:$0x3FFC];
	_ =	sdelay $0x3  }
0x94: {  	_ =	strace s3  }
0x95: {  	s3 =	sld [smem:$0x3FFD];
	_ =	sdelay $0x3  }
0x96: {  	_ =	strace s3  }
0x97: {  	_ =	strace $0x8FFFFFFF  }
0x98: {  	s19 =	sld [smem:$0x3FDB];
	_ =	sdelay $0x1  }
0x99: {  	s4 =	simm.s32 $_scs_section_size  }
0x9a: {  	s5 =	simm.s32 $_size__tile_overlayer_lowered;
	s6 =	simm.s32 $_tile_overlayer_lowered  }
0x9b: {  	s22 =	simm.s32 $0x1BFF;
	s21 =	sshll.u32 s6, $0x1;
	s3 =	sadd.s32 s4, s19  }
0x9c: {  	s7 =	simm.s32 $0x0;
	s20 =	sshll.u32 s5, $0x1;
	s5 =	sadd.s32 s21, s3  }
0x9d: {  	[timem:s7], [sflag:s22] =	dma.local [hbm:s5], s20  }
0x9e: {  	_ =	swait.ge [sflag:s22], s20  }
0x9f: {  	s4 =	ssub.s32 $0x0, s20;
	[sflag:s22] =	ssyncset.done $0x0  }
0xa0: {  	[sflag:s22] =	ssyncadd.s32 s4;
	_ =	sdelay $0x1  }
0xa1: {  	s23 =	simm.s32 $0x1B8B  }
0xa2: {  	_ =	swait.ge [sflag:s23], $0x1  }
0xa3: {  	[sflag:s23] =	ssyncset.done $0x0  }
0xa4: {  	s25 =	simm.s32 $0x1B8E;
	s24 =	sld [smem:$0x3FFE];
	[sflag:s23] =	ssyncadd.s32 $0xFFFFFFFF  }
0xa5: {  	s26 =	simm.s32 $execute0_lowered;
	[smem:$0x3FD2] =	sst s25  }
0xa6: {  	s5 =	sshll.u32 s26, $0x1;
	_ =	strace $0x8000004C;
	[dreg:$0x1] =	wrdreg $0xFFFFFFFF  }
0xa7: {  	s28 =	simm.s32 $_size_execute0_lowered;
	s3 =	sadd.s32 s3, s5;
	[dreg:$0x0] =	wrdreg $0x0  }
0xa8: {  	s5 =	sshll.u32 s28, $0x1;
	[dreg:$0x2] =	wrdreg s3  }
0xa9: {  	[dreg:$0x3] =	wrdreg s5  }
0xaa: {  	[dreg:$0x4] =	wrdreg $0xC0  }
0xab: {  	_ =	task [dreg:s7], $0x5FFFF  }
0xac: {  	[dreg:$0x1] =	wrdreg $0xFFFFFFFF  }
0xad: {  	[dreg:$0x0] =	wrdreg $0x60  }
0xae: {  	[dreg:$0x2] =	wrdreg s24  }
0xaf: {  	[dreg:$0x3] =	wrdreg s2  }
0xb0: {  	[dreg:$0x4] =	wrdreg $0xA8000  }
0xb1: {  	[dreg:$0x5] =	wrdreg $0x9  }
0xb2: {  	_ =	task.clear_ibuf [dreg:s7], $0x6FFFF;
	_ =	strace $0x9000004C  }
0xb3: {  	s29 =	simm.s32 $0x9;
	_ =	strace $0x8000004E  }
0xb4: {  	_ =	swait.ge [sflag:s29], $0x1  }
0xb5: {  	[sflag:s29] =	ssyncadd.s32 $0xFFFFFFFF  }
0xb6: {  	_ =	strace $0x9000004E  }
0xb7: {  	_ =	sfence  }
0xb8: {  	s30 =	sld [smem:$0x0];
	_ =	sdelay $0x2  }
0xb9: {  	s31 =	sshll.u32 s1, $0xD;
	s1 =	sshrl.u32 s1, $0x2  }
0xba: {  	s3 =	sand.u32 $0x4000, s31;
	s1 =	sadd.s32 s1, s30  }
0xbb: {  	s0 =	sor.u32 s3, s0;
	s1 =	sshll.u32 s1, $0x11  }
0xbc: {  	s0 =	sor.u32 s1, s0  }
0xbd: {  	s0 =	sadd.s32 $0x8F2B, s0  }
0xbe: {  	[sflag:s0] =	ssyncadd.remote.s32 $0x1  }
0xbf: {  	_ =	sfence.sel $0xFFFF  }
0xc0: {  	[dreg:$0x0] =	wrdreg $0xFFFFFFFF;
	(pc) =	sbr.abs _section_cstart, $3  }
0xc1: {  	[dreg:$0x1] =	wrdreg $0xFFFFFFFF  }
0xc2: {  	_ =	task.clear_ibuf [dreg:s7], $0x2FFFF;
	_ =	strace $0x9FFFFFFF  }
0xc3: {  	(tm) =	ssettm $0x7FFFFFFF  }
tec
execute0_lowered:
.L_overlay_start_1:
0x0: {  	(tag) =	ssettag $0x1  }
0x1: {  	s5 =	rddreg [dreg:$0x0]  }
0x2: {  	s10 =	rddreg [dreg:$0x1]  }
0x3: {  	s2 =	rddreg [dreg:$0x2]  }
0x4: {  	s0 =	rddreg [dreg:$0x3]  }
0x5: {  	s3 =	simm.s32 $0x0;
	s1 =	stileid.u32;
	s7 =	srdreg.scid  }
0x6: {  	s16 =	simm.s32 $0x2800;
	s17 =	simm.s32 $0x6800;
	s18 =	simm.s32 $0x1  }
0x7: {  	s19 =	simm.s32 $0x2;
	s20 =	simm.s32 $0x2700;
	s21 =	simm.s32 $0x2780  }
0x8: {  	[smem:$0x7FF] =	sst s3;
	s22 =	smul.u32 $0x2780, s1;
	s4 =	sadd.s32 $0xD400, s5  }
0x9: {  	s9 =	sadd.s32 $0x3400, s5;
	s7 =	sand.u32 $0x1, s7;
	s8 =	smul.u32 $0x4F000, s1  }
0xa: {  	s11 =	sshll.u32 s1, $0x1;
	s30 =	sshll.u32 s1, $0x6;
	_ =	strace $0x8000004D  }
0xb: {  	s12 =	smul.u32 $0x27800, s7;
	s13 =	ssub.s32 $0x2, s7;
	s7 =	sor.u32 s7, s11  }
0xc: {  	s6 =	sadd.s32 s22, s5;
	s28 =	sshrl.u32 s13, $0x1;
	s14 =	smul.u32 $0x2800, s7  }
0xd: {  	s8 =	sshrl.u32 s8, $0x2;
	s15 =	smul.u32 $0x500, s7;
	s12 =	sadd.s32 s12, s5  }
0xe: {  	s11 =	ssub.s32 s13, s28;
	s29 =	sadd.s32 s8, s2;
	s5 =	sadd.s32 $0x34C00, s6  }
0xf: {  	s6 =	sor.u32 $0x1C03, s30;
	s13 =	simm.s32 $0x3;
	s31 =	sshrl.u32 s14, $0x3  }
0x10: {  	s7 =	sadd.s32 s9, s15;
	s8 =	sadd.s32 s10, s15;
	s23 =	sadd.s32 $0x5C400, s12  }
0x11: {  	s11 =	smax.u32 s11, $0x1;
	s12 =	sshrl.u32 s29, $0x3;
	s15 =	simm.s32 $0x80  }
0x12: {  	s14 =	sadd.s32 $0x280, s31;
	s22 =	sadd.s32 s22, s23;
	s23 =	simm.s32 $0x0  }
0x13: {  	s9 =	sadd.s32 s9, s14;
	s10 =	sadd.s32 s10, s14;
	s14 =	simm.s32 $0x1400  }
.LBB2_1:
0x14: {  	[spmem:s12], [sflag:s6] =	dma.local [hbm:s5], $0x2780  }
0x15: {  	_ =	swait.ge [sflag:s13], $0x2780  }
0x16: {  	[sflag:s13] =	ssyncset.done $0x0  }
0x17: {  	[sflag:s13] =	ssyncadd.s32 $0xFFFFD880  }
0x18: {  	[bflag:$0x0] =	sbarrier.arrive $0xFFFF  }
0x19: {  	[tilespmem:s3], [sflag:$0x3] =	stream.linear.gather [hbm4b:s7+s3], $0x1400, $0x38;
	[tilespmem:$0x1E400] =	vst v63  }
0x1a: {  	_ =	swait.ge [sflag:s13], $0x1400  }
0x1b: {  	[sflag:s13] =	ssyncset.done $0x0  }
0x1c: {  	[sflag:s13] =	ssyncadd.s32 $0xFFFFEC00  }
0x1d: {  	[tilespmem:s14], [sflag:$0x3] =	stream.linear.gather [hbm4b:s8+s3], $0x1400, $0x38;
	[tilespmem:$0x1E400] =	vst v63  }
0x1e: {  	_ =	swait.ge [sflag:s13], $0x1400  }
0x1f: {  	[sflag:s13] =	ssyncset.done $0x0  }
0x20: {  	[sflag:s13] =	ssyncadd.s32 $0xFFFFEC00  }
0x21: {  	[tilespmem:s16], [sflag:$0x1] =	stream.indirect.gather [hbm4b:s4+s15], $0x80, s3, s15, $0xb8;
	[tilespmem:$0x1E400] =	vst v63  }
0x22: {  	_ = 	snop  }
0x23: {  	[tilespmem:s17], [sflag:$0x2] =	stream.indirect.gather [hbm4b:s4+s15], $0x80, s15, s15, $0xb8;
	[tilespmem:$0x1E400] =	vst v63  }
0x24: {  	_ =	swait.ge [sflag:s18], $0x4000  }
0x25: {  	[sflag:s18] =	ssyncset.done $0x0  }
0x26: {  	s24 =	simm.s32 $0x1400;
	[sflag:s18] =	ssyncadd.s32 $0xFFFFC000  }
0x27: {  	[spmem:s2] =	stream.indirect.scatter.add.f32 [tilespmem:s16], [sflag:$0x3], $0x80, s24, s15, $0xb8;
	[tilespmem:$0x1E400] =	vst v63  }
0x28: {  	_ =	swait.ge [sflag:s13], $0x4000  }
0x29: {  	[sflag:s13] =	ssyncset.done $0x0  }
0x2a: {  	s30 =	simm.s32 $0x100;
	[sflag:s13] =	ssyncadd.s32 $0xFFFFC000  }
0x2b: {  	[tilespmem:s16], [sflag:$0x1] =	stream.indirect.gather [hbm4b:s4+s15], $0x80, s30, s15, $0xb8;
	[tilespmem:$0x1E400] =	vst v63  }
0x2c: {  	_ =	swait.ge [sflag:s19], $0x4000  }
0x2d: {  	[sflag:s19] =	ssyncset.done $0x0  }
0x2e: {  	s31 =	simm.s32 $0x1480;
	[sflag:s19] =	ssyncadd.s32 $0xFFFFC000  }
0x2f: {  	[spmem:s2] =	stream.indirect.scatter.add.f32 [tilespmem:s17], [sflag:$0x3], $0x80, s31, s15, $0xb8;
	[tilespmem:$0x1E400] =	vst v63  }
0x30: {  	_ =	swait.ge [sflag:s13], $0x4000  }
0x31: {  	[sflag:s13] =	ssyncset.done $0x0  }
0x32: {  	s25 =	simm.s32 $0x180;
	s24 =	simm.s32 $0x400;
	[sflag:s13] =	ssyncadd.s32 $0xFFFFC000  }
.LBB2_2:
0x33: {  	[tilespmem:s17], [sflag:$0x2] =	stream.indirect.gather [hbm4b:s4+s15], $0x80, s25, s15, $0xb8;
	[tilespmem:$0x1E400] =	vst v63  }
0x34: {  	s25 =	smov.u32 s24  }
0x35: {  	p0 =	sne.s32 s24, $0x4800;
	s24 =	sadd.s32 $0x400, s24;
	_ =	swait.ge [sflag:s18], $0x4000  }
0x36: {  	s25 =	sshra.s32 s25, $0x2;
	[sflag:s18] =	ssyncset.done $0x0  }
0x37: {  	s26 =	sadd.s32 $0x1400, s25;
	[sflag:s18] =	ssyncadd.s32 $0xFFFFC000  }
0x38: {  	[spmem:s2] =	stream.indirect.scatter.add.f32 [tilespmem:s16], [sflag:$0x3], $0x80, s26, s15, $0xb8;
	[tilespmem:$0x1E400] =	vst v63  }
0x39: {  	_ =	swait.ge [sflag:s13], $0x4000  }
0x3a: {  	[sflag:s13] =	ssyncset.done $0x0  }
0x3b: {  	s26 =	sadd.s32 $0x100, s25;
	[sflag:s13] =	ssyncadd.s32 $0xFFFFC000  }
0x3c: {  	[tilespmem:s16], [sflag:$0x1] =	stream.indirect.gather [hbm4b:s4+s15], $0x80, s26, s15, $0xb8;
	[tilespmem:$0x1E400] =	vst v63  }
0x3d: {  	_ =	swait.ge [sflag:s19], $0x4000  }
0x3e: {  	[sflag:s19] =	ssyncset.done $0x0  }
.Ltmp0:
0x3f: {  	s26 =	sadd.s32 $0x1480, s25;
	[sflag:s19] =	ssyncadd.s32 $0xFFFFC000;
	(pc) =	sbr.rel @p0 .LBB2_2-.Ltmp0, $4  }
0x40: {  	[spmem:s2] =	stream.indirect.scatter.add.f32 [tilespmem:s17], [sflag:$0x3], $0x80, s26, s15, $0xb8;
	[tilespmem:$0x1E400] =	vst v63  }
0x41: {  	_ =	swait.ge [sflag:s13], $0x4000  }
0x42: {  	[sflag:s13] =	ssyncset.done $0x0  }
0x43: {  	s25 =	sadd.s32 $0x180, s25;
	[sflag:s13] =	ssyncadd.s32 $0xFFFFC000  }
0x44: {  	[tilespmem:s17], [sflag:$0x2] =	stream.indirect.gather [hbm4b:s4+s15], $0x80, s25, s15, $0xb8;
	[tilespmem:$0x1E400] =	vst v63  }
0x45: {  	_ =	swait.ge [sflag:s18], $0x4000  }
0x46: {  	[sflag:s18] =	ssyncset.done $0x0  }
0x47: {  	[sflag:s18] =	ssyncadd.s32 $0xFFFFC000  }
0x48: {  	[spmem:s2] =	stream.indirect.scatter.add.f32 [tilespmem:s16], [sflag:$0x3], $0x80, s20, s15, $0xb8;
	[tilespmem:$0x1E400] =	vst v63  }
0x49: {  	_ =	swait.ge [sflag:s13], $0x4000  }
0x4a: {  	[sflag:s13] =	ssyncset.done $0x0  }
0x4b: {  	[sflag:s13] =	ssyncadd.s32 $0xFFFFC000  }
0x4c: {  	_ =	swait.ge [sflag:s19], $0x4000  }
0x4d: {  	[sflag:s19] =	ssyncset.done $0x0  }
0x4e: {  	[sflag:s19] =	ssyncadd.s32 $0xFFFFC000  }
0x4f: {  	[spmem:s2] =	stream.indirect.scatter.add.f32 [tilespmem:s17], [sflag:$0x3], $0x80, s21, s15, $0xb8;
	[tilespmem:$0x1E400] =	vst v63  }
0x50: {  	_ =	swait.ge [sflag:s13], $0x4000  }
0x51: {  	[sflag:s13] =	ssyncset.done $0x0  }
0x52: {  	s24 =	simm.s32 $0x0;
	[sflag:s13] =	ssyncadd.s32 $0xFFFFC000  }
0x53: {  	[tilespmem:s24], [sflag:$0x3] =	stream.linear.gather [hbm4b:s9+s24], $0x1400, $0x38;
	[tilespmem:$0x1E400] =	vst v63  }
0x54: {  	_ =	swait.ge [sflag:s13], $0x1400  }
0x55: {  	[sflag:s13] =	ssyncset.done $0x0  }
0x56: {  	[sflag:s13] =	ssyncadd.s32 $0xFFFFEC00  }
0x57: {  	[tilespmem:s14], [sflag:$0x3] =	stream.linear.gather [hbm4b:s10+s24], $0x1400, $0x38;
	[tilespmem:$0x1E400] =	vst v63  }
0x58: {  	_ =	swait.ge [sflag:s13], $0x1400  }
0x59: {  	[sflag:s13] =	ssyncset.done $0x0  }
0x5a: {  	[sflag:s13] =	ssyncadd.s32 $0xFFFFEC00  }
0x5b: {  	[tilespmem:s16], [sflag:$0x1] =	stream.indirect.gather [hbm4b:s4+s15], $0x80, s24, s15, $0xb8;
	[tilespmem:$0x1E400] =	vst v63  }
0x5c: {  	_ = 	snop  }
0x5d: {  	[tilespmem:s17], [sflag:$0x2] =	stream.indirect.gather [hbm4b:s4+s15], $0x80, s15, s15, $0xb8;
	[tilespmem:$0x1E400] =	vst v63  }
0x5e: {  	_ =	swait.ge [sflag:s18], $0x4000  }
0x5f: {  	[sflag:s18] =	ssyncset.done $0x0  }
0x60: {  	s29 =	simm.s32 $0x1400;
	[sflag:s18] =	ssyncadd.s32 $0xFFFFC000  }
0x61: {  	[spmem:s2] =	stream.indirect.scatter.add.f32 [tilespmem:s16], [sflag:$0x3], $0x80, s29, s15, $0xb8;
	[tilespmem:$0x1E400] =	vst v63  }
0x62: {  	_ =	swait.ge [sflag:s13], $0x4000  }
0x63: {  	[sflag:s13] =	ssyncset.done $0x0  }
0x64: {  	s30 =	simm.s32 $0x100;
	[sflag:s13] =	ssyncadd.s32 $0xFFFFC000  }
0x65: {  	[tilespmem:s16], [sflag:$0x1] =	stream.indirect.gather [hbm4b:s4+s15], $0x80, s30, s15, $0xb8;
	[tilespmem:$0x1E400] =	vst v63  }
0x66: {  	_ =	swait.ge [sflag:s19], $0x4000  }
0x67: {  	[sflag:s19] =	ssyncset.done $0x0  }
0x68: {  	s31 =	simm.s32 $0x1480;
	[sflag:s19] =	ssyncadd.s32 $0xFFFFC000  }
0x69: {  	[spmem:s2] =	stream.indirect.scatter.add.f32 [tilespmem:s17], [sflag:$0x3], $0x80, s31, s15, $0xb8;
	[tilespmem:$0x1E400] =	vst v63  }
0x6a: {  	_ =	swait.ge [sflag:s13], $0x4000  }
0x6b: {  	[sflag:s13] =	ssyncset.done $0x0  }
0x6c: {  	s25 =	simm.s32 $0x180;
	s24 =	simm.s32 $0x400;
	[sflag:s13] =	ssyncadd.s32 $0xFFFFC000  }
.LBB2_4:
0x6d: {  	[tilespmem:s17], [sflag:$0x2] =	stream.indirect.gather [hbm4b:s4+s15], $0x80, s25, s15, $0xb8;
	[tilespmem:$0x1E400] =	vst v63  }
0x6e: {  	s25 =	smov.u32 s24  }
0x6f: {  	p0 =	sne.s32 s24, $0x4800;
	s24 =	sadd.s32 $0x400, s24;
	_ =	swait.ge [sflag:s18], $0x4000  }
0x70: {  	s25 =	sshra.s32 s25, $0x2;
	[sflag:s18] =	ssyncset.done $0x0  }
0x71: {  	s26 =	sadd.s32 $0x1400, s25;
	[sflag:s18] =	ssyncadd.s32 $0xFFFFC000  }
0x72: {  	[spmem:s2] =	stream.indirect.scatter.add.f32 [tilespmem:s16], [sflag:$0x3], $0x80, s26, s15, $0xb8;
	[tilespmem:$0x1E400] =	vst v63  }
0x73: {  	_ =	swait.ge [sflag:s13], $0x4000  }
0x74: {  	[sflag:s13] =	ssyncset.done $0x0  }
0x75: {  	s26 =	sadd.s32 $0x100, s25;
	[sflag:s13] =	ssyncadd.s32 $0xFFFFC000  }
0x76: {  	[tilespmem:s16], [sflag:$0x1] =	stream.indirect.gather [hbm4b:s4+s15], $0x80, s26, s15, $0xb8;
	[tilespmem:$0x1E400] =	vst v63  }
0x77: {  	_ =	swait.ge [sflag:s19], $0x4000  }
0x78: {  	[sflag:s19] =	ssyncset.done $0x0  }
.Ltmp1:
0x79: {  	s26 =	sadd.s32 $0x1480, s25;
	[sflag:s19] =	ssyncadd.s32 $0xFFFFC000;
	(pc) =	sbr.rel @p0 .LBB2_4-.Ltmp1, $4  }
0x7a: {  	[spmem:s2] =	stream.indirect.scatter.add.f32 [tilespmem:s17], [sflag:$0x3], $0x80, s26, s15, $0xb8;
	[tilespmem:$0x1E400] =	vst v63  }
0x7b: {  	_ =	swait.ge [sflag:s13], $0x4000  }
0x7c: {  	[sflag:s13] =	ssyncset.done $0x0  }
0x7d: {  	s25 =	sadd.s32 $0x180, s25;
	[sflag:s13] =	ssyncadd.s32 $0xFFFFC000  }
0x7e: {  	[tilespmem:s17], [sflag:$0x2] =	stream.indirect.gather [hbm4b:s4+s15], $0x80, s25, s15, $0xb8;
	[tilespmem:$0x1E400] =	vst v63  }
0x7f: {  	_ =	swait.ge [sflag:s18], $0x4000  }
0x80: {  	[sflag:s18] =	ssyncset.done $0x0  }
0x81: {  	[sflag:s18] =	ssyncadd.s32 $0xFFFFC000  }
0x82: {  	[spmem:s2] =	stream.indirect.scatter.add.f32 [tilespmem:s16], [sflag:$0x3], $0x80, s20, s15, $0xb8;
	[tilespmem:$0x1E400] =	vst v63  }
0x83: {  	_ =	swait.ge [sflag:s13], $0x4000  }
0x84: {  	[sflag:s13] =	ssyncset.done $0x0  }
0x85: {  	[sflag:s13] =	ssyncadd.s32 $0xFFFFC000  }
0x86: {  	_ =	swait.ge [sflag:s19], $0x4000  }
0x87: {  	[sflag:s19] =	ssyncset.done $0x0  }
0x88: {  	[sflag:s19] =	ssyncadd.s32 $0xFFFFC000  }
0x89: {  	[spmem:s2] =	stream.indirect.scatter.add.f32 [tilespmem:s17], [sflag:$0x3], $0x80, s21, s15, $0xb8;
	[tilespmem:$0x1E400] =	vst v63  }
0x8a: {  	_ =	swait.ge [sflag:s13], $0x4000  }
0x8b: {  	s23 =	sadd.s32 $0x1, s23;
	[sflag:s13] =	ssyncset.done $0x0  }
0x8c: {  	p0 =	sne.s32 s23, s11;
	[sflag:s13] =	ssyncadd.s32 $0xFFFFC000  }
.Ltmp2:
0x8d: {  	[bflag:$0x0] =	sbarrier.arrive $0xFFFF;
	(pc) =	sbr.rel @p0 .LBB2_1-.Ltmp2, $4  }
0x8e: {  	[hbm:s22], [sflag:s6] =	dma.local [spmem:s12], $0x2780  }
0x8f: {  	_ =	swait.ge [sflag:s13], $0x2780  }
0x90: {  	[sflag:s13] =	ssyncset.done $0x0  }
0x91: {  	[sflag:s13] =	ssyncadd.s32 $0xFFFFD880  }
0x92: {  	_ =	sfence.sel $0x180000  }
0x93: {  	[bflag:$0x0] =	sbarrier.arrive $0xFFFF  }
0x94: {  	p0 =	sne.s32 s1, $0x0;
	_ =	strace $0x9000004D  }
0x95: {  	s0 =	sadd.s32 @!p0 $0x100000, s0;
	[bflag:$0x2] =	sbarrier.arrive $0xFFFF  }
0x96: {  	[sflag:s0] =	ssyncadd.tile.s32 @!p0 $0x1;
	_ =	shalt  }
.Lfunc_end2:
_tile_overlayer_lowered:
.L_overlay_start_2:
0x97: {  	(tag) =	ssettag $0x2  }
0x98: {  	s0 =	rddreg [dreg:$0x0];
	s2 =	stileid.u32  }
0x99: {  	s1 =	rddreg [dreg:$0x1];
	p0 =	sne.s32 s2, $0x0  }
0x9a: {  	s3 =	rddreg [dreg:$0x2];
	[bflag:$0x3] =	sbarrier.arrive $0xFFFF;
	s2 =	simm.s32 @!p0 $0x1C03  }
0x9b: {  	[timem:s3], [sflag:s2] =	dma.local @!p0 [hbm:s0], s1  }
0x9c: {  	s0 =	simm.s32 @!p0 $0x3  }
0x9d: {  	_ =	swait.ge @!p0 [sflag:s0], s1  }
0x9e: {  	s1 =	ssub.s32 @!p0 $0x0, s1;
	[sflag:s0] =	ssyncset.done @!p0 $0x0  }
0x9f: {  	[sflag:s0] =	ssyncadd.s32 @!p0 s1  }
0xa0: {  	[bflag:$0x3] =	sbarrier.arrive $0xFFFF  }
0xa1: {  	_ =	shalt  }

// kernel: kernel.9.cloned.1.call-start
scs
__scs_entry_jumppad:
0x0: {  	(pc) =	sbr.rel $0x88, $3  }
0x1: {  	(tag) =	ssettag $0x0;
	lr =	simm.s32 $0x1  }
0x2: {  	[smem:$0x3F97] =	sst lr;
	_ =	strace $0xD0000000  }
0x3: {  	_ = 	snop  }
0x4: {  	_ = 	snop  }
0x5: {  	_ = 	snop  }
0x6: {  	_ = 	snop  }
0x7: {  	_ = 	snop  }
__scs_overlays_trampoline_lowered:
0x8: {  	[smem:$0x3FA6] =	sst s0  }
0x9: {  	[smem:$0x3FA7] =	sst s1  }
0xa: {  	[smem:$0x3FA8] =	sst s2  }
0xb: {  	[smem:$0x3FA9] =	sst s3  }
0xc: {  	[smem:$0x3FAA] =	sst s4  }
0xd: {  	[smem:$0x3FAB] =	sst s5  }
0xe: {  	[smem:$0x3FAC] =	sst s6  }
0xf: {  	[smem:$0x3FAD] =	sst s7  }
0x10: {  	[smem:$0x3FAE] =	sst s8  }
0x11: {  	[smem:$0x3FAF] =	sst s9;
	s0 =	simm.s32 @!p0 $0x0  }
0x12: {  	s1 =	sld [smem:$0x3F95];
	s0 =	simm.s32 @p0 $0x1  }
0x13: {  	[smem:$0x3FB0] =	sst s0;
	s0 =	simm.s32 @!p1 $0x0  }
0x14: {  	s2 =	sld [smem:$0x3F94];
	s0 =	simm.s32 @p1 $0x1  }
0x15: {  	[smem:$0x3FB1] =	sst s0;
	s0 =	simm.s32 @!p2 $0x0  }
0x16: {  	s3 =	sld [smem:$0x3FDB];
	s0 =	simm.s32 @p2 $0x1  }
0x17: {  	s4 =	simm.s32 $0x1BF5;
	[smem:$0x3FB3] =	sst s0  }
0x18: {  	s0 =	sld [smem:$0x3F96];
	_ =	swait.ge [sflag:s4], $0x0  }
0x19: {  	s7 =	sld [smem:$0x3F97]  }
0x1a: {  	s8 =	sadd.s32 $0xFFFFE003, lr  }
0x1b: {  	s9 =	sadd.s32 $0xFFFFFEF7, lr;
	s5 =	simm.s32 $0xFFFFFFFF;
	p2 =	slt.u32 s8, $0xFFFFF086  }
0x1c: {  	p1 =	slt.u32 s9, $0xF7A;
	s5 =	simm.s32 @!p2 $0x0  }
0x1d: {  	s5 =	simm.s32 @p1 $0x1;
	p0 =	seq.s32 s7, s2  }
0x1e: {  	s7 =	smul.u32 @!p0 $0xF7A, s2;
	p2 =	seq.s32 @!p0 s5, $0x0  }
0x1f: {  	s9 =	smul.u32 $0xF7A, s1;
	s8 =	simm.s32 @!p0 $0x1BF5;
	p2 =	por !p2, p0  }
0x20: {  	[sflag:s8] =	ssyncset.s32 @!p0 $0xFFFFF086;
	s6 =	sadd.s32 @!p0 s3, s7;
	s7 =	simm.s32 @!p0 $0x108  }
0x21: {  	s3 =	sadd.s32 s3, s9;
	s6 =	sadd.s32 @!p0 $0x88, s6;
	s7 =	simm.s32 @p2 $0x1082  }
0x22: {  	[simem:s7], [sflag:s8] =	dma.local @!p0 [hbm:s6], $0xF7A  }
0x23: {  	s9 =	sor.u32 $0xD0000000, s2;
	s6 =	simm.s32 $0x108;
	_ =	swait.ge @!p0 [sflag:s8], $0x0  }
0x24: {  	s3 =	sadd.s32 $0x88, s3;
	s6 =	simm.s32 @!p1 $0x1082;
	[sflag:s4] =	ssyncset.s32 $0xFFFFF086  }
0x25: {  	[simem:s6], [sflag:s4] =	dma.local [hbm:s3], $0xF7A  }
0x26: {  	[smem:$0x3F97] =	sst s1;
	(tag) =	ssettag s2;
	_ =	strace s9  }
0x27: {  	s1 =	sld [smem:$0x3FA7]  }
0x28: {  	s2 =	sld [smem:$0x3FA8]  }
0x29: {  	s4 =	sld [smem:$0x3FAA]  }
0x2a: {  	p0 =	seq.s32 s5, $0x0;
	s5 =	sld [smem:$0x3FAB]  }
0x2b: {  	s6 =	sld [smem:$0x3FAC]  }
0x2c: {  	s7 =	sld [smem:$0x3FAD]  }
0x2d: {  	s3 =	simm.s32 $0x108;
	s8 =	sld [smem:$0x3FAE]  }
0x2e: {  	s3 =	simm.s32 @!p0 $0x1082;
	s9 =	sld [smem:$0x3FAF]  }
0x2f: {  	lr =	sadd.s32 s0, s3;
	s0 =	sld [smem:$0x3FA6]  }
0x30: {  	s3 =	sld [smem:$0x3FA9]  }
0x31: {  	[smem:$0x3FB2] =	sst s10  }
0x32: {  	s10 =	sld [smem:$0x3FB0];
	_ =	sdelay $0x3  }
0x33: {  	p0 =	seq.s32 s10, $0x1;
	s10 =	sld [smem:$0x3FB2];
	_ =	sdelay $0x3  }
0x34: {  	[smem:$0x3FB2] =	sst s10  }
0x35: {  	s10 =	sld [smem:$0x3FB1];
	_ =	sdelay $0x3  }
0x36: {  	p1 =	seq.s32 s10, $0x1;
	s10 =	sld [smem:$0x3FB2];
	_ =	sdelay $0x3  }
0x37: {  	[smem:$0x3FB2] =	sst s10  }
0x38: {  	s10 =	sld [smem:$0x3FB3]  }
0x39: {  	_ = 	snop;
	(pc) =	sbr.ind lr, $3  }
0x3a: {  	_ = 	snop  }
0x3b: {  	_ = 	snop  }
0x3c: {  	p2 =	seq.s32 s10, $0x1;
	s10 =	sld [smem:$0x3FB2]  }
0x3d: {  	_ =	shalt  }
0x3e: {  	_ =	shalt  }
0x3f: {  	_ =	shalt  }
0x40: {  	_ =	shalt  }
0x41: {  	_ =	shalt  }
0x42: {  	_ =	shalt  }
0x43: {  	_ =	shalt  }
0x44: {  	_ =	shalt  }
0x45: {  	_ =	shalt  }
0x46: {  	_ =	shalt  }
0x47: {  	_ =	shalt  }
0x48: {  	_ =	shalt  }
0x49: {  	_ =	shalt  }
0x4a: {  	_ =	shalt  }
0x4b: {  	_ =	shalt  }
0x4c: {  	_ =	shalt  }
0x4d: {  	_ =	shalt  }
0x4e: {  	_ =	shalt  }
0x4f: {  	_ =	shalt  }
0x50: {  	_ =	shalt  }
0x51: {  	_ =	shalt  }
0x52: {  	_ =	shalt  }
0x53: {  	_ =	shalt  }
0x54: {  	_ =	shalt  }
0x55: {  	_ =	shalt  }
0x56: {  	_ =	shalt  }
0x57: {  	_ =	shalt  }
0x58: {  	_ =	shalt  }
0x59: {  	_ =	shalt  }
0x5a: {  	_ =	shalt  }
0x5b: {  	_ =	shalt  }
0x5c: {  	_ =	shalt  }
0x5d: {  	_ =	shalt  }
0x5e: {  	_ =	shalt  }
0x5f: {  	_ =	shalt  }
0x60: {  	_ =	shalt  }
0x61: {  	_ =	shalt  }
0x62: {  	_ =	shalt  }
0x63: {  	_ =	shalt  }
0x64: {  	_ =	shalt  }
0x65: {  	_ =	shalt  }
0x66: {  	_ =	shalt  }
0x67: {  	_ =	shalt  }
0x68: {  	_ =	shalt  }
0x69: {  	_ =	shalt  }
0x6a: {  	_ =	shalt  }
0x6b: {  	_ =	shalt  }
0x6c: {  	_ =	shalt  }
0x6d: {  	_ =	shalt  }
0x6e: {  	_ =	shalt  }
0x6f: {  	_ =	shalt  }
0x70: {  	_ =	shalt  }
0x71: {  	_ =	shalt  }
0x72: {  	_ =	shalt  }
0x73: {  	_ =	shalt  }
0x74: {  	_ =	shalt  }
0x75: {  	_ =	shalt  }
0x76: {  	_ =	shalt  }
0x77: {  	_ =	shalt  }
0x78: {  	_ =	shalt  }
0x79: {  	_ =	shalt  }
0x7a: {  	_ =	shalt  }
0x7b: {  	_ =	shalt  }
0x7c: {  	_ =	shalt  }
0x7d: {  	_ =	shalt  }
0x7e: {  	_ =	shalt  }
0x7f: {  	_ =	shalt  }
0x80: {  	_ =	shalt  }
0x81: {  	_ =	shalt  }
0x82: {  	_ =	shalt  }
0x83: {  	_ =	shalt  }
0x84: {  	_ =	shalt  }
0x85: {  	_ =	shalt  }
0x86: {  	_ =	shalt  }
0x87: {  	_ =	shalt  }
.Lfunc_end0:
.L_simem_size_0:
called_computation_lowered:
.L_overlay_start_0:
0x88: {  	s2 =	sld [smem:$0x3FD9]  }
0x89: {  	s3 =	sld [smem:$0x3FFE];
	_ =	sdelay $0x1  }
0x8a: {  	s1 =	srdreg.scid  }
0x8b: {  	s0 =	sand.u32 $0x1, s1  }
0x8c: {  	s16 =	sshll.u32 s0, $0xA;
	s2 =	sadd.s32 s3, s2  }
0x8d: {  	s2 =	sadd.s32 s2, s16  }
0x8e: {  	[smem:$0x3FBE] =	sst s2  }
0x8f: {  	_ = 	snop  }
0x90: {  	(tm) =	ssettm $0x1  }
0x91: {  	s17 =	sld [smem:$0x3FFB];
	_ =	sdelay $0x3  }
0x92: {  	_ =	strace s17  }
0x93: {  	s2 =	sld [smem:$0x3FFC];
	_ =	sdelay $0x3  }
0x94: {  	_ =	strace s2  }
0x95: {  	s2 =	sld [smem:$0x3FFD];
	_ =	sdelay $0x3  }
0x96: {  	_ =	strace s2  }
0x97: {  	_ =	strace $0x8FFFFFFF  }
0x98: {  	s18 =	sld [smem:$0x3FDB];
	_ =	sdelay $0x1  }
0x99: {  	s19 =	simm.s32 $_scs_section_size  }
0x9a: {  	s4 =	simm.s32 $_size__tile_overlayer_lowered;
	s5 =	simm.s32 $_tile_overlayer_lowered  }
0x9b: {  	s22 =	simm.s32 $0x1BFF;
	s21 =	sshll.u32 s5, $0x1;
	s2 =	sadd.s32 s19, s18  }
0x9c: {  	s6 =	simm.s32 $0x0;
	s20 =	sshll.u32 s4, $0x1;
	s4 =	sadd.s32 s21, s2  }
0x9d: {  	[timem:s6], [sflag:s22] =	dma.local [hbm:s4], s20  }
0x9e: {  	_ =	swait.ge [sflag:s22], s20  }
0x9f: {  	s3 =	ssub.s32 $0x0, s20;
	[sflag:s22] =	ssyncset.done $0x0  }
0xa0: {  	[sflag:s22] =	ssyncadd.s32 s3;
	_ =	sdelay $0x1  }
0xa1: {  	s23 =	simm.s32 $0x1B8B  }
0xa2: {  	_ =	swait.ge [sflag:s23], $0x1  }
0xa3: {  	[sflag:s23] =	ssyncset.done $0x0  }
0xa4: {  	s25 =	simm.s32 $0x1B8E;
	s24 =	sld [smem:$0x3FFE];
	[sflag:s23] =	ssyncadd.s32 $0xFFFFFFFF  }
0xa5: {  	s26 =	simm.s32 $execute0_lowered;
	[smem:$0x3FD2] =	sst s25  }
0xa6: {  	s4 =	sshll.u32 s26, $0x1;
	_ =	strace $0x80000046;
	[dreg:$0x1] =	wrdreg $0xFFFFFFFF  }
0xa7: {  	s28 =	simm.s32 $_size_execute0_lowered;
	s2 =	sadd.s32 s2, s4;
	[dreg:$0x0] =	wrdreg $0x0  }
0xa8: {  	s4 =	sshll.u32 s28, $0x1;
	[dreg:$0x2] =	wrdreg s2  }
0xa9: {  	[dreg:$0x3] =	wrdreg s4  }
0xaa: {  	[dreg:$0x4] =	wrdreg $0xC0  }
0xab: {  	_ =	task [dreg:s6], $0x5FFFF  }
0xac: {  	[dreg:$0x1] =	wrdreg $0xFFFFFFFF  }
0xad: {  	[dreg:$0x0] =	wrdreg $0x60  }
0xae: {  	[dreg:$0x2] =	wrdreg s24  }
0xaf: {  	[dreg:$0x3] =	wrdreg $0x9  }
0xb0: {  	_ =	task.clear_ibuf [dreg:s6], $0x4FFFF;
	_ =	strace $0x90000046  }
0xb1: {  	s29 =	simm.s32 $0x9;
	_ =	strace $0x80000048  }
0xb2: {  	_ =	swait.ge [sflag:s29], $0x1  }
0xb3: {  	[sflag:s29] =	ssyncadd.s32 $0xFFFFFFFF  }
0xb4: {  	_ =	strace $0x90000048  }
0xb5: {  	_ =	sfence  }
0xb6: {  	s30 =	sld [smem:$0x0];
	_ =	sdelay $0x2  }
0xb7: {  	s31 =	sshll.u32 s1, $0xD;
	s1 =	sshrl.u32 s1, $0x2  }
0xb8: {  	s3 =	sand.u32 $0x4000, s31;
	s1 =	sadd.s32 s1, s30  }
0xb9: {  	s0 =	sor.u32 s3, s0;
	s1 =	sshll.u32 s1, $0x11  }
0xba: {  	s0 =	sor.u32 s1, s0  }
0xbb: {  	s0 =	sadd.s32 $0x8F2B, s0  }
0xbc: {  	[sflag:s0] =	ssyncadd.remote.s32 $0x1  }
0xbd: {  	_ =	sfence.sel $0xFFFF  }
0xbe: {  	[dreg:$0x0] =	wrdreg $0xFFFFFFFF;
	(pc) =	sbr.abs _section_cstart, $3  }
0xbf: {  	[dreg:$0x1] =	wrdreg $0xFFFFFFFF  }
0xc0: {  	_ =	task.clear_ibuf [dreg:s6], $0x2FFFF;
	_ =	strace $0x9FFFFFFF  }
0xc1: {  	(tm) =	ssettm $0x7FFFFFFF  }
tec
execute0_lowered:
.L_overlay_start_1:
0x0: {  	(tag) =	ssettag $0x1  }
0x1: {  	s1 =	srdreg.scid  }
0x2: {  	s0 =	stileid.u32;
	s5 =	rddreg [dreg:$0x0]  }
0x3: {  	s2 =	simm.s32 $0x0;
	s8 =	simm.s32 $0x80;
	s9 =	simm.s32 $0x400  }
0x4: {  	s10 =	simm.s32 $0x0;
	s3 =	sand.u32 $0x1, s1;
	s29 =	sshll.u32 s0, $0x1  }
0x5: {  	s30 =	sshrl.u32 s0, $0x2;
	s1 =	rddreg [dreg:$0x1];
	s4 =	sor.u32 s3, s29  }
0x6: {  	[smem:$0x7FF] =	sst s2;
	s6 =	smul.u32 $0x13C00, s30;
	s7 =	sshll.u32 s4, $0x7  }
0x7: {  	s3 =	ssub.s32 $0x2, s3;
	s4 =	smul.u32 $0x500, s4;
	s7 =	sand.u32 $0x380, s7  }
0x8: {  	_ =	strace $0x80000047;
	s31 =	sshrl.u32 s3, $0x1;
	s6 =	sor.u32 s6, s7  }
0x9: {  	s4 =	sadd.s32 s4, s5;
	s7 =	simm.s32 $0x2800;
	s6 =	sshrl.u32 s6, $0x3  }
0xa: {  	s5 =	sadd.s32 s6, s5;
	s6 =	ssub.s32 s3, s31;
	s3 =	sadd.s32 $0x3400, s4  }
0xb: {  	v0 =	vimm.f32 $0.0e+00;
	v1 =	vimm.f32 $1.000000000e+00;
	s4 =	sadd.s32 $0xD400, s5;
	s5 =	smax.u32 s6, $0x1;
	s6 =	simm.s32 $0x1  }
.LBB2_1:
0xc: {  	[tilespmem:s2], [sflag:$0x1] =	stream.linear.gather [hbm4b:s3+s2], $0x2800, $0x38;
	[tilespmem:$0x4F80] =	vst v63  }
0xd: {  	_ =	swait.ge [sflag:s6], $0x2800  }
0xe: {  	[sflag:s6] =	ssyncset.done $0x0  }
0xf: {  	s11 =	simm.s32 $0x0;
	[sflag:s6] =	ssyncadd.s32 $0xFFFFD800  }
.LBB2_2:
0x10: {  	p0 =	sne.s32 s11, $0x9DC0  }
.Ltmp0:
0x11: {  	_ = 	snop;
	(pc) =	sbr.rel @p0 .LBB2_2-.Ltmp0, $3  }
0x12: {  	_ =	sdelay $0x1  }
0x13: {  	s12 =	sshra.s32 s11, $0x2  }
0x14: {  	s11 =	sadd.s32 $0x40, s11;
	[tilespmem:s12+$0x2800] =	vst v0  }
0x15: {  	s11 =	simm.s32 $0x0  }
.LBB2_4:
0x16: {  	s12 =	sshra.s32 s11, $0x2  }
0x17: {  	v2 =	vld [tilespmem:s12+$0x0];
	_ =	sdelay $0x7  }
0x18: {  	[tilespmem:v2+s7+$0x0] =	vst.idx.add.f32.msk $0xffff, v1  }
0x19: {  	v2 =	vld [tilespmem:s12+$0x10];
	_ =	sdelay $0x7  }
0x1a: {  	[tilespmem:v2+s7+$0x0] =	vst.idx.add.f32.msk $0xffff, v1  }
0x1b: {  	v2 =	vld [tilespmem:s12+$0x20];
	_ =	sdelay $0x7  }
0x1c: {  	[tilespmem:v2+s7+$0x0] =	vst.idx.add.f32.msk $0xffff, v1  }
0x1d: {  	v2 =	vld [tilespmem:s12+$0x30];
	_ =	sdelay $0x7  }
0x1e: {  	[tilespmem:v2+s7+$0x0] =	vst.idx.add.f32.msk $0xffff, v1  }
0x1f: {  	v2 =	vld [tilespmem:s12+$0x40];
	_ =	sdelay $0x7  }
0x20: {  	[tilespmem:v2+s7+$0x0] =	vst.idx.add.f32.msk $0xffff, v1  }
0x21: {  	v2 =	vld [tilespmem:s12+$0x50];
	_ =	sdelay $0x7  }
0x22: {  	[tilespmem:v2+s7+$0x0] =	vst.idx.add.f32.msk $0xffff, v1  }
0x23: {  	v2 =	vld [tilespmem:s12+$0x60];
	_ =	sdelay $0x7  }
0x24: {  	[tilespmem:v2+s7+$0x0] =	vst.idx.add.f32.msk $0xffff, v1  }
0x25: {  	v2 =	vld [tilespmem:s12+$0x70];
	_ =	sdelay $0x2  }
0x26: {  	p0 =	sne.s32 s11, $0x9E00  }
.Ltmp1:
0x27: {  	_ = 	snop;
	(pc) =	sbr.rel @p0 .LBB2_4-.Ltmp1, $2  }
0x28: {  	_ =	sdelay $0x2  }
0x29: {  	s11 =	sadd.s32 $0x200, s11;
	[tilespmem:v2+s7+$0x0] =	vst.idx.add.f32.msk $0xffff, v1  }
0x2a: {  	s10 =	sadd.s32 $0x1, s10  }
0x2b: {  	p0 =	sne.s32 s10, s5  }
.Ltmp2:
0x2c: {  	_ = 	snop;
	(pc) =	sbr.rel @p0 .LBB2_1-.Ltmp2, $4  }
0x2d: {  	[hbm4b:s4+s8] =	stream.strided.scatter [tilespmem:s7], [sflag:$0x1], $0x2780, s9, s8, $0x38;
	[tilespmem:$0x4F80] =	vst v63  }
0x2e: {  	_ =	swait.ge [sflag:s6], $0x2780  }
0x2f: {  	[sflag:s6] =	ssyncset.done $0x0  }
0x30: {  	[sflag:s6] =	ssyncadd.s32 $0xFFFFD880  }
0x31: {  	_ =	sfence.sel $0x180000  }
0x32: {  	[bflag:$0x0] =	sbarrier.arrive $0xFFFF  }
0x33: {  	p0 =	sne.s32 s0, $0x0;
	_ =	strace $0x90000047  }
0x34: {  	s0 =	sadd.s32 @!p0 $0x100000, s1;
	[bflag:$0x2] =	sbarrier.arrive $0xFFFF  }
0x35: {  	[sflag:s0] =	ssyncadd.tile.s32 @!p0 $0x1;
	_ =	shalt  }
.Lfunc_end2:
_tile_overlayer_lowered:
.L_overlay_start_2:
0x36: {  	(tag) =	ssettag $0x2  }
0x37: {  	s0 =	rddreg [dreg:$0x0];
	s2 =	stileid.u32  }
0x38: {  	s1 =	rddreg [dreg:$0x1];
	p0 =	sne.s32 s2, $0x0  }
0x39: {  	s3 =	rddreg [dreg:$0x2];
	[bflag:$0x3] =	sbarrier.arrive $0xFFFF;
	s2 =	simm.s32 @!p0 $0x1C01  }
0x3a: {  	[timem:s3], [sflag:s2] =	dma.local @!p0 [hbm:s0], s1  }
0x3b: {  	s0 =	simm.s32 @!p0 $0x1  }
0x3c: {  	_ =	swait.ge @!p0 [sflag:s0], s1  }
0x3d: {  	s1 =	ssub.s32 @!p0 $0x0, s1;
	[sflag:s0] =	ssyncset.done @!p0 $0x0  }
0x3e: {  	[sflag:s0] =	ssyncadd.s32 @!p0 s1  }
0x3f: {  	[bflag:$0x3] =	sbarrier.arrive $0xFFFF  }
0x40: {  	_ =	shalt  }

</sc_bundles>
